<compile_context>
chip_gen: v7x
topology: tpu7x:2x2x1
jax: 0.10.2.dev20260603
libtpu: 0.0.44.dev20260713+nightly
codegen_flags: <defaults>
</compile_context>

<pallas_src>
import functools

import jax
import jax.numpy as jnp
from jax import lax
from jax.experimental import pallas as pl
from jax.experimental.pallas import tpu as pltpu
from jax.experimental.pallas import tpu_sc as plsc

N_OBS = 16384 * 200
NUM_CORES = 2
NUM_SUBCORES = 16
NW = NUM_CORES * NUM_SUBCORES
PER_W = N_OBS // NW
CHUNK = 2048
NCHUNK = PER_W // CHUNK
LANES = 16

SUBJECTS_PAD = 100352
ROWS_W = SUBJECTS_PAD // NW

_PARAMS = pltpu.CompilerParams(needs_layout_passes=False)


def _transform_tables(A, U, Lambda):
    mesh = plsc.VectorSubcoreMesh(core_axis_name="c", subcore_axis_name="s")

    @functools.partial(
        pl.kernel,
        out_type=(pltpu.HBM((SUBJECTS_PAD,), jnp.float32),
                  pltpu.HBM((SUBJECTS_PAD,), jnp.float32),
                  pltpu.HBM((SUBJECTS_PAD,), jnp.float32)),
        mesh=mesh,
        compiler_params=_PARAMS,
        scratch_types=[
            pltpu.VMEM((ROWS_W,), jnp.float32),
            pltpu.VMEM((ROWS_W,), jnp.float32),
            pltpu.VMEM((ROWS_W,), jnp.float32),
        ],
    )
    def k(a_hbm, u_hbm, l_hbm, ao_hbm, uo_hbm, ro_hbm, a_v, u_v, l_v):
        wid = lax.axis_index("s") * NUM_CORES + lax.axis_index("c")
        base = wid * ROWS_W
        pltpu.sync_copy(a_hbm.at[pl.ds(base, ROWS_W)], a_v)
        pltpu.sync_copy(u_hbm.at[pl.ds(base, ROWS_W)], u_v)
        pltpu.sync_copy(l_hbm.at[pl.ds(base, ROWS_W)], l_v)

        def body(v, carry):
            sl = pl.ds(v * LANES, LANES)
            a_v[sl] = jnp.maximum(a_v[sl], 0.0)
            u_v[sl] = jnp.maximum(u_v[sl], 0.0)
            l_v[sl] = 0.2 / (1.0 + jnp.exp(-l_v[sl]))
            return carry

        lax.fori_loop(0, ROWS_W // LANES, body, 0)
        pltpu.sync_copy(a_v, ao_hbm.at[pl.ds(base, ROWS_W)])
        pltpu.sync_copy(u_v, uo_hbm.at[pl.ds(base, ROWS_W)])
        pltpu.sync_copy(l_v, ro_hbm.at[pl.ds(base, ROWS_W)])

    return k(A, U, Lambda)


def _loss_partials(y, j, sub, a_tab, u_tab, r_tab):
    mesh = plsc.VectorSubcoreMesh(core_axis_name="c", subcore_axis_name="s")

    @functools.partial(
        pl.kernel,
        out_type=jax.ShapeDtypeStruct((NW, LANES), jnp.float32),
        mesh=mesh,
        compiler_params=_PARAMS,
        scratch_types=[
            [pltpu.VMEM((CHUNK,), jnp.float32) for _ in range(2)],
            [pltpu.VMEM((CHUNK,), jnp.float32) for _ in range(2)],
            [pltpu.VMEM((CHUNK,), jnp.int32) for _ in range(2)],
            [pltpu.VMEM((CHUNK,), jnp.float32) for _ in range(2)],
            [pltpu.VMEM((CHUNK,), jnp.float32) for _ in range(2)],
            [pltpu.VMEM((CHUNK,), jnp.float32) for _ in range(2)],
            [pltpu.SemaphoreType.DMA for _ in range(2)],
            [pltpu.SemaphoreType.DMA for _ in range(2)],
            pltpu.VMEM((LANES,), jnp.float32),
        ],
    )
    def k(y_hbm, j_hbm, sub_hbm, at_hbm, ut_hbm, rt_hbm, out_hbm,
          y_v, j_v, idx_v, a_v, u_v, r_v, lsem, gsem, acc_v):
        wid = lax.axis_index("s") * NUM_CORES + lax.axis_index("c")
        base = wid * PER_W

        def start_linear(i, b):
            off = base + i * CHUNK
            pltpu.async_copy(y_hbm.at[pl.ds(off, CHUNK)], y_v[b], lsem[b])
            pltpu.async_copy(j_hbm.at[pl.ds(off, CHUNK)], j_v[b], lsem[b])
            pltpu.async_copy(sub_hbm.at[pl.ds(off, CHUNK)], idx_v[b], lsem[b])

        def drain_linear(i, b):
            off = base + i * CHUNK
            pltpu.make_async_copy(y_hbm.at[pl.ds(off, CHUNK)], y_v[b], lsem[b]).wait()
            pltpu.make_async_copy(j_hbm.at[pl.ds(off, CHUNK)], j_v[b], lsem[b]).wait()
            pltpu.make_async_copy(sub_hbm.at[pl.ds(off, CHUNK)], idx_v[b], lsem[b]).wait()

        def start_gather(b):
            pltpu.async_copy(at_hbm.at[idx_v[b]], a_v[b], gsem[b])

        def wait_gather(b):
            pltpu.make_async_copy(at_hbm.at[idx_v[b]], a_v[b], gsem[b]).wait()

        def compute(b, acc):
            def vec_body(v, acc):
                sl = pl.ds(v * LANES, LANES)
                r = y_v[b][sl] - a_v[b][sl] + u_v[b][sl] + r_v[b][sl] + j_v[b][sl]
                return acc + r * r

            return lax.fori_loop(0, CHUNK // LANES, vec_body, acc)

        start_linear(0, 0)
        drain_linear(0, 0)
        start_gather(0)
        start_linear(1, 1)

        def one_iter(i, b, acc):
            @pl.when(i + 1 < NCHUNK)
            def _():
                drain_linear(i + 1, 1 - b)
                start_gather(1 - b)

            wait_gather(b)
            acc = compute(b, acc)

            @pl.when(i + 2 < NCHUNK)
            def _():
                start_linear(i + 2, b)

            return acc

        def pair_body(i2, acc):
            i = i2 * 2
            acc = one_iter(i, 0, acc)
            return one_iter(i + 1, 1, acc)

        acc = lax.fori_loop(0, NCHUNK // 2, pair_body,
                            jnp.zeros((LANES,), jnp.float32))
        acc_v[...] = acc
        pltpu.sync_copy(acc_v, out_hbm.at[wid])

    return k(y, j, sub, a_tab, u_tab, r_tab)


def kernel(y, j, sub, A, U, Lambda):
    pad = SUBJECTS_PAD - A.shape[0]
    a_tab, u_tab, r_tab = _transform_tables(
        jnp.pad(A, (0, pad)), jnp.pad(U, (0, pad)), jnp.pad(Lambda, (0, pad)))
    partials = _loss_partials(y, j, sub, a_tab, u_tab, r_tab)
    return jnp.sqrt(jnp.sum(partials) / N_OBS)

# --- scband reference (transcript-rebuilt; emitter-appended) ---
"""Pipeline reference for scband-model-65292092833891 (READ-ONLY COPY).

The authoritative reference and input builder live on the scoring server;
editing this copy changes nothing except your own understanding.
"""

import jax, jax.numpy as jnp
import numpy as np

SUBJECTS = 100000
N = 16384 * 200


def setup_inputs(seed: int = 0) -> dict:
    key = jax.random.key(seed)
    k1, k2, k3, k4, k5, k6 = jax.random.split(key, 6)
    y = jax.random.normal(k1, (N,), dtype=jnp.float32)
    j = jax.random.uniform(k2, (N,), dtype=jnp.float32)
    sub = jax.random.randint(k3, (N,), 0, SUBJECTS)
    ymean = jnp.mean(y)
    # learned parameters, initialized as in the torch module: randn + y.mean()
    A = jax.random.normal(k4, (SUBJECTS,), dtype=jnp.float32) + ymean
    U = jax.random.normal(k5, (SUBJECTS,), dtype=jnp.float32) + ymean
    Lambda = jax.random.normal(k6, (SUBJECTS,), dtype=jnp.float32)
    return {"y": y, "j": j, "sub": sub, "A": A, "U": U, "Lambda": Lambda}


def reference(y, j, sub, A, U, Lambda):
    # modify_params
    A_ = jax.nn.relu(A)
    U_ = jax.nn.relu(U)
    L_ = jax.nn.sigmoid(Lambda) * 0.2
    # compute_mu: per-observation gather from per-subject parameter vectors
    mu = jnp.take(A_, sub, axis=0) - jnp.take(U_, sub, axis=0) * jnp.exp(-jnp.take(L_, sub, axis=0) * j)
    loss = jnp.sqrt(jnp.mean((y - mu) ** 2))
    return loss

if __name__ == "__main__":
    import jax
    _d = setup_inputs()
    print(jax.jit(kernel)(*tuple(_d.values())))

</pallas_src>

<mosaic_0001>
#map = affine_map<(d0, d1) -> (0)>
module attributes {stable_mosaic.version = 14 : i64} {
  func.func @k(%arg0: i32, %arg1: i32, %arg2: memref<100352xf32, #tpu.memory_space<hbm>>, %arg3: memref<100352xf32, #tpu.memory_space<hbm>>, %arg4: memref<100352xf32, #tpu.memory_space<hbm>>, %arg5: memref<100352xf32, #tpu.memory_space<hbm>>, %arg6: memref<100352xf32, #tpu.memory_space<hbm>>, %arg7: memref<100352xf32, #tpu.memory_space<hbm>>, %arg8: memref<3136xf32, #tpu.memory_space<vmem>>, %arg9: memref<3136xf32, #tpu.memory_space<vmem>>, %arg10: memref<3136xf32, #tpu.memory_space<vmem>>) attributes {dimension_semantics = [#tpu.dimension_semantics<core_parallel>, #tpu.dimension_semantics<subcore_parallel>], iteration_bounds = array<i64: 2, 16>, scalar_prefetch = 0 : i64, scratch_operands = 3 : i64, tpu.core_type = #tpu.core_type<sc_vector_subcore>, window_params = [{transform_indices = #map}, {transform_indices = #map}, {transform_indices = #map}, {transform_indices = #map}, {transform_indices = #map}, {transform_indices = #map}]} {
    %mul3A = arith.constant 2 : i32
    %mul3A_0 = arith.muli %arg1, %mul3A : i32
    %add3A = arith.addi %mul3A_0, %arg0 : i32
    %mul3A_1 = arith.constant 3136 : i32
    %mul3A_2 = arith.muli %add3A, %mul3A_1 : i32
    "tpu.region"() ({
      %run_scoped3A = tpu.sem_alloc : memref<!tpu.dma_semaphore, #tpu.memory_space<semaphore_mem>>
      %dma_start3A = tpu.memref_slice %arg2[%mul3A_2] : memref<100352xf32, #tpu.memory_space<hbm>> -> memref<3136xf32, #tpu.memory_space<hbm>>
      %dma_start3A_8 = tpu.memref_slice %arg2[%mul3A_2] : memref<100352xf32, #tpu.memory_space<hbm>> -> memref<3136xf32, #tpu.memory_space<hbm>>
      tpu.enqueue_dma source(%dma_start3A_8 : memref<3136xf32, #tpu.memory_space<hbm>>) target(%arg8 : memref<3136xf32, #tpu.memory_space<vmem>>) target_semaphore(%run_scoped3A : memref<!tpu.dma_semaphore, #tpu.memory_space<semaphore_mem>>)
      %dma_wait3A = tpu.memref_slice %arg2[%mul3A_2] : memref<100352xf32, #tpu.memory_space<hbm>> -> memref<3136xf32, #tpu.memory_space<hbm>>
      %dma_wait3A_9 = tpu.memref_slice %arg2[%mul3A_2] : memref<100352xf32, #tpu.memory_space<hbm>> -> memref<3136xf32, #tpu.memory_space<hbm>>
      tpu.wait_dma2 semaphore(%run_scoped3A : memref<!tpu.dma_semaphore, #tpu.memory_space<semaphore_mem>>) src(%dma_wait3A_9 : memref<3136xf32, #tpu.memory_space<hbm>>) dst(%arg8 : memref<3136xf32, #tpu.memory_space<vmem>>)
      tpu.yield
    }) : () -> ()
    "tpu.region"() ({
      %run_scoped3A = tpu.sem_alloc : memref<!tpu.dma_semaphore, #tpu.memory_space<semaphore_mem>>
      %dma_start3A = tpu.memref_slice %arg3[%mul3A_2] : memref<100352xf32, #tpu.memory_space<hbm>> -> memref<3136xf32, #tpu.memory_space<hbm>>
      %dma_start3A_8 = tpu.memref_slice %arg3[%mul3A_2] : memref<100352xf32, #tpu.memory_space<hbm>> -> memref<3136xf32, #tpu.memory_space<hbm>>
      tpu.enqueue_dma source(%dma_start3A_8 : memref<3136xf32, #tpu.memory_space<hbm>>) target(%arg9 : memref<3136xf32, #tpu.memory_space<vmem>>) target_semaphore(%run_scoped3A : memref<!tpu.dma_semaphore, #tpu.memory_space<semaphore_mem>>)
      %dma_wait3A = tpu.memref_slice %arg3[%mul3A_2] : memref<100352xf32, #tpu.memory_space<hbm>> -> memref<3136xf32, #tpu.memory_space<hbm>>
      %dma_wait3A_9 = tpu.memref_slice %arg3[%mul3A_2] : memref<100352xf32, #tpu.memory_space<hbm>> -> memref<3136xf32, #tpu.memory_space<hbm>>
      tpu.wait_dma2 semaphore(%run_scoped3A : memref<!tpu.dma_semaphore, #tpu.memory_space<semaphore_mem>>) src(%dma_wait3A_9 : memref<3136xf32, #tpu.memory_space<hbm>>) dst(%arg9 : memref<3136xf32, #tpu.memory_space<vmem>>)
      tpu.yield
    }) : () -> ()
    "tpu.region"() ({
      %run_scoped3A = tpu.sem_alloc : memref<!tpu.dma_semaphore, #tpu.memory_space<semaphore_mem>>
      %dma_start3A = tpu.memref_slice %arg4[%mul3A_2] : memref<100352xf32, #tpu.memory_space<hbm>> -> memref<3136xf32, #tpu.memory_space<hbm>>
      %dma_start3A_8 = tpu.memref_slice %arg4[%mul3A_2] : memref<100352xf32, #tpu.memory_space<hbm>> -> memref<3136xf32, #tpu.memory_space<hbm>>
      tpu.enqueue_dma source(%dma_start3A_8 : memref<3136xf32, #tpu.memory_space<hbm>>) target(%arg10 : memref<3136xf32, #tpu.memory_space<vmem>>) target_semaphore(%run_scoped3A : memref<!tpu.dma_semaphore, #tpu.memory_space<semaphore_mem>>)
      %dma_wait3A = tpu.memref_slice %arg4[%mul3A_2] : memref<100352xf32, #tpu.memory_space<hbm>> -> memref<3136xf32, #tpu.memory_space<hbm>>
      %dma_wait3A_9 = tpu.memref_slice %arg4[%mul3A_2] : memref<100352xf32, #tpu.memory_space<hbm>> -> memref<3136xf32, #tpu.memory_space<hbm>>
      tpu.wait_dma2 semaphore(%run_scoped3A : memref<!tpu.dma_semaphore, #tpu.memory_space<semaphore_mem>>) src(%dma_wait3A_9 : memref<3136xf32, #tpu.memory_space<hbm>>) dst(%arg10 : memref<3136xf32, #tpu.memory_space<vmem>>)
      tpu.yield
    }) : () -> ()
    %scan3A = arith.constant 0 : i32
    %scan3A_3 = arith.constant 0 : i32
    %scan3A_4 = arith.constant 196 : i32
    %scan3A_5 = arith.addi %scan3A_3, %scan3A_4 : i32
    %scan3A_6 = arith.constant 1 : i32
    scf.for %scan3A_8 = %scan3A_3 to %scan3A_5 step %scan3A_6  : i32 {
      %mul3A_9 = arith.constant 16 : i32
      %mul3A_10 = arith.muli %scan3A_8, %mul3A_9 : i32
      %get3A = arith.index_cast %mul3A_10 : i32 to index
      %get3A_11 = tpu.vector_load %arg8[%get3A] {strides = array<i32>} : memref<3136xf32, #tpu.memory_space<vmem>>, vector<16xf32>,
      %max3A = arith.constant 0.000000e+00 : f32
      %max3A_12 = vector.broadcast %max3A : f32 to vector<16xf32>
      %max3A_13 = arith.maximumf %get3A_11, %max3A_12 : vector<16xf32>
      %swap3A = arith.index_cast %mul3A_10 : i32 to index
      %swap3A_14 = tpu.vector_load %arg8[%swap3A] {strides = array<i32>} : memref<3136xf32, #tpu.memory_space<vmem>>, vector<16xf32>,
      tpu.vector_store %arg8[%swap3A], %max3A_13 {strides = array<i32>} : memref<3136xf32, #tpu.memory_space<vmem>>, vector<16xf32>,
      %get3A_15 = arith.index_cast %mul3A_10 : i32 to index
      %get3A_16 = tpu.vector_load %arg9[%get3A_15] {strides = array<i32>} : memref<3136xf32, #tpu.memory_space<vmem>>, vector<16xf32>,
      %max3A_17 = arith.constant 0.000000e+00 : f32
      %max3A_18 = vector.broadcast %max3A_17 : f32 to vector<16xf32>
      %max3A_19 = arith.maximumf %get3A_16, %max3A_18 : vector<16xf32>
      %swap3A_20 = arith.index_cast %mul3A_10 : i32 to index
      %swap3A_21 = tpu.vector_load %arg9[%swap3A_20] {strides = array<i32>} : memref<3136xf32, #tpu.memory_space<vmem>>, vector<16xf32>,
      tpu.vector_store %arg9[%swap3A_20], %max3A_19 {strides = array<i32>} : memref<3136xf32, #tpu.memory_space<vmem>>, vector<16xf32>,
      %get3A_22 = arith.index_cast %mul3A_10 : i32 to index
      %get3A_23 = tpu.vector_load %arg10[%get3A_22] {strides = array<i32>} : memref<3136xf32, #tpu.memory_space<vmem>>, vector<16xf32>,
      %neg3A = arith.constant 0.000000e+00 : f32
      %neg3A_24 = vector.broadcast %neg3A : f32 to vector<16xf32>
      %neg3A_25 = arith.subf %neg3A_24, %get3A_23 : vector<16xf32>
      %exp3A = math.exp %neg3A_25 : vector<16xf32>
      %add3A_26 = arith.constant 1.000000e+00 : f32
      %add3A_27 = vector.broadcast %add3A_26 : f32 to vector<16xf32>
      %add3A_28 = arith.addf %add3A_27, %exp3A : vector<16xf32>
      %div3A = arith.constant 2.000000e-01 : f32
      %div3A_29 = vector.broadcast %div3A : f32 to vector<16xf32>
      %div3A_30 = arith.divf %div3A_29, %add3A_28 : vector<16xf32>
      %swap3A_31 = arith.index_cast %mul3A_10 : i32 to index
      %swap3A_32 = tpu.vector_load %arg10[%swap3A_31] {strides = array<i32>} : memref<3136xf32, #tpu.memory_space<vmem>>, vector<16xf32>,
      tpu.vector_store %arg10[%swap3A_31], %div3A_30 {strides = array<i32>} : memref<3136xf32, #tpu.memory_space<vmem>>, vector<16xf32>,
    }
    %scan3A_7 = arith.constant 196 : i32
    "tpu.region"() ({
      %run_scoped3A = tpu.sem_alloc : memref<!tpu.dma_semaphore, #tpu.memory_space<semaphore_mem>>
      %dma_start3A = tpu.memref_slice %arg5[%mul3A_2] : memref<100352xf32, #tpu.memory_space<hbm>> -> memref<3136xf32, #tpu.memory_space<hbm>>
      %dma_start3A_8 = tpu.memref_slice %arg5[%mul3A_2] : memref<100352xf32, #tpu.memory_space<hbm>> -> memref<3136xf32, #tpu.memory_space<hbm>>
      tpu.enqueue_dma source(%arg8 : memref<3136xf32, #tpu.memory_space<vmem>>) target(%dma_start3A_8 : memref<3136xf32, #tpu.memory_space<hbm>>) target_semaphore(%run_scoped3A : memref<!tpu.dma_semaphore, #tpu.memory_space<semaphore_mem>>)
      %dma_wait3A = tpu.memref_slice %arg5[%mul3A_2] : memref<100352xf32, #tpu.memory_space<hbm>> -> memref<3136xf32, #tpu.memory_space<hbm>>
      %dma_wait3A_9 = tpu.memref_slice %arg5[%mul3A_2] : memref<100352xf32, #tpu.memory_space<hbm>> -> memref<3136xf32, #tpu.memory_space<hbm>>
      tpu.wait_dma2 semaphore(%run_scoped3A : memref<!tpu.dma_semaphore, #tpu.memory_space<semaphore_mem>>) src(%arg8 : memref<3136xf32, #tpu.memory_space<vmem>>) dst(%dma_wait3A_9 : memref<3136xf32, #tpu.memory_space<hbm>>)
      tpu.yield
    }) : () -> ()
    "tpu.region"() ({
      %run_scoped3A = tpu.sem_alloc : memref<!tpu.dma_semaphore, #tpu.memory_space<semaphore_mem>>
      %dma_start3A = tpu.memref_slice %arg6[%mul3A_2] : memref<100352xf32, #tpu.memory_space<hbm>> -> memref<3136xf32, #tpu.memory_space<hbm>>
      %dma_start3A_8 = tpu.memref_slice %arg6[%mul3A_2] : memref<100352xf32, #tpu.memory_space<hbm>> -> memref<3136xf32, #tpu.memory_space<hbm>>
      tpu.enqueue_dma source(%arg9 : memref<3136xf32, #tpu.memory_space<vmem>>) target(%dma_start3A_8 : memref<3136xf32, #tpu.memory_space<hbm>>) target_semaphore(%run_scoped3A : memref<!tpu.dma_semaphore, #tpu.memory_space<semaphore_mem>>)
      %dma_wait3A = tpu.memref_slice %arg6[%mul3A_2] : memref<100352xf32, #tpu.memory_space<hbm>> -> memref<3136xf32, #tpu.memory_space<hbm>>
      %dma_wait3A_9 = tpu.memref_slice %arg6[%mul3A_2] : memref<100352xf32, #tpu.memory_space<hbm>> -> memref<3136xf32, #tpu.memory_space<hbm>>
      tpu.wait_dma2 semaphore(%run_scoped3A : memref<!tpu.dma_semaphore, #tpu.memory_space<semaphore_mem>>) src(%arg9 : memref<3136xf32, #tpu.memory_space<vmem>>) dst(%dma_wait3A_9 : memref<3136xf32, #tpu.memory_space<hbm>>)
      tpu.yield
    }) : () -> ()
    "tpu.region"() ({
      %run_scoped3A = tpu.sem_alloc : memref<!tpu.dma_semaphore, #tpu.memory_space<semaphore_mem>>
      %dma_start3A = tpu.memref_slice %arg7[%mul3A_2] : memref<100352xf32, #tpu.memory_space<hbm>> -> memref<3136xf32, #tpu.memory_space<hbm>>
      %dma_start3A_8 = tpu.memref_slice %arg7[%mul3A_2] : memref<100352xf32, #tpu.memory_space<hbm>> -> memref<3136xf32, #tpu.memory_space<hbm>>
      tpu.enqueue_dma source(%arg10 : memref<3136xf32, #tpu.memory_space<vmem>>) target(%dma_start3A_8 : memref<3136xf32, #tpu.memory_space<hbm>>) target_semaphore(%run_scoped3A : memref<!tpu.dma_semaphore, #tpu.memory_space<semaphore_mem>>)
      %dma_wait3A = tpu.memref_slice %arg7[%mul3A_2] : memref<100352xf32, #tpu.memory_space<hbm>> -> memref<3136xf32, #tpu.memory_space<hbm>>
      %dma_wait3A_9 = tpu.memref_slice %arg7[%mul3A_2] : memref<100352xf32, #tpu.memory_space<hbm>> -> memref<3136xf32, #tpu.memory_space<hbm>>
      tpu.wait_dma2 semaphore(%run_scoped3A : memref<!tpu.dma_semaphore, #tpu.memory_space<semaphore_mem>>) src(%arg10 : memref<3136xf32, #tpu.memory_space<vmem>>) dst(%dma_wait3A_9 : memref<3136xf32, #tpu.memory_space<hbm>>)
      tpu.yield
    }) : () -> ()
    return
  }
}

#map = affine_map<(d0, d1) -> (0)>
#map1 = affine_map<(d0, d1) -> (0, 0)>
module attributes {stable_mosaic.version = 14 : i64} {
  func.func @k(%arg0: i32, %arg1: i32, %arg2: memref<3276800xf32, #tpu.memory_space<hbm>>, %arg3: memref<3276800xf32, #tpu.memory_space<hbm>>, %arg4: memref<3276800xi32, #tpu.memory_space<hbm>>, %arg5: memref<100352xf32, #tpu.memory_space<hbm>>, %arg6: memref<100352xf32, #tpu.memory_space<hbm>>, %arg7: memref<100352xf32, #tpu.memory_space<hbm>>, %arg8: memref<32x16xf32, #tpu.memory_space<hbm>>, %arg9: memref<2048xf32, #tpu.memory_space<vmem>>, %arg10: memref<2048xf32, #tpu.memory_space<vmem>>, %arg11: memref<2048xf32, #tpu.memory_space<vmem>>, %arg12: memref<2048xf32, #tpu.memory_space<vmem>>, %arg13: memref<2048xi32, #tpu.memory_space<vmem>>, %arg14: memref<2048xi32, #tpu.memory_space<vmem>>, %arg15: memref<2048xf32, #tpu.memory_space<vmem>>, %arg16: memref<2048xf32, #tpu.memory_space<vmem>>, %arg17: memref<2048xf32, #tpu.memory_space<vmem>>, %arg18: memref<2048xf32, #tpu.memory_space<vmem>>, %arg19: memref<2048xf32, #tpu.memory_space<vmem>>, %arg20: memref<2048xf32, #tpu.memory_space<vmem>>, %arg21: memref<!tpu.dma_semaphore, #tpu.memory_space<semaphore_mem>>, %arg22: memref<!tpu.dma_semaphore, #tpu.memory_space<semaphore_mem>>, %arg23: memref<!tpu.dma_semaphore, #tpu.memory_space<semaphore_mem>>, %arg24: memref<!tpu.dma_semaphore, #tpu.memory_space<semaphore_mem>>, %arg25: memref<16xf32, #tpu.memory_space<vmem>>) attributes {dimension_semantics = [#tpu.dimension_semantics<core_parallel>, #tpu.dimension_semantics<subcore_parallel>], iteration_bounds = array<i64: 2, 16>, scalar_prefetch = 0 : i64, scratch_operands = 17 : i64, tpu.core_type = #tpu.core_type<sc_vector_subcore>, window_params = [{transform_indices = #map}, {transform_indices = #map}, {transform_indices = #map}, {transform_indices = #map}, {transform_indices = #map}, {transform_indices = #map}, {transform_indices = #map1}]} {
    %mul3A = arith.constant 2 : i32
    %mul3A_0 = arith.muli %arg1, %mul3A : i32
    %add3A = arith.addi %mul3A_0, %arg0 : i32
    %mul3A_1 = arith.constant 102400 : i32
    %mul3A_2 = arith.muli %add3A, %mul3A_1 : i32
    %add3A_3 = arith.constant 0 : i32
    %add3A_4 = arith.addi %mul3A_2, %add3A_3 : i32
    %dma_start3A = tpu.memref_slice %arg2[%add3A_4] : memref<3276800xf32, #tpu.memory_space<hbm>> -> memref<2048xf32, #tpu.memory_space<hbm>>
    %dma_start3A_5 = tpu.memref_slice %arg2[%add3A_4] : memref<3276800xf32, #tpu.memory_space<hbm>> -> memref<2048xf32, #tpu.memory_space<hbm>>
    tpu.enqueue_dma source(%dma_start3A_5 : memref<2048xf32, #tpu.memory_space<hbm>>) target(%arg9 : memref<2048xf32, #tpu.memory_space<vmem>>) target_semaphore(%arg21 : memref<!tpu.dma_semaphore, #tpu.memory_space<semaphore_mem>>)
    %dma_start3A_6 = tpu.memref_slice %arg3[%add3A_4] : memref<3276800xf32, #tpu.memory_space<hbm>> -> memref<2048xf32, #tpu.memory_space<hbm>>
    %dma_start3A_7 = tpu.memref_slice %arg3[%add3A_4] : memref<3276800xf32, #tpu.memory_space<hbm>> -> memref<2048xf32, #tpu.memory_space<hbm>>
    tpu.enqueue_dma source(%dma_start3A_7 : memref<2048xf32, #tpu.memory_space<hbm>>) target(%arg11 : memref<2048xf32, #tpu.memory_space<vmem>>) target_semaphore(%arg21 : memref<!tpu.dma_semaphore, #tpu.memory_space<semaphore_mem>>)
    %dma_start3A_8 = tpu.memref_slice %arg4[%add3A_4] : memref<3276800xi32, #tpu.memory_space<hbm>> -> memref<2048xi32, #tpu.memory_space<hbm>>
    %dma_start3A_9 = tpu.memref_slice %arg4[%add3A_4] : memref<3276800xi32, #tpu.memory_space<hbm>> -> memref<2048xi32, #tpu.memory_space<hbm>>
    tpu.enqueue_dma source(%dma_start3A_9 : memref<2048xi32, #tpu.memory_space<hbm>>) target(%arg13 : memref<2048xi32, #tpu.memory_space<vmem>>) target_semaphore(%arg21 : memref<!tpu.dma_semaphore, #tpu.memory_space<semaphore_mem>>)
    %add3A_10 = arith.constant 0 : i32
    %add3A_11 = arith.addi %mul3A_2, %add3A_10 : i32
    %dma_wait3A = tpu.memref_slice %arg2[%add3A_11] : memref<3276800xf32, #tpu.memory_space<hbm>> -> memref<2048xf32, #tpu.memory_space<hbm>>
    %dma_wait3A_12 = tpu.memref_slice %arg2[%add3A_11] : memref<3276800xf32, #tpu.memory_space<hbm>> -> memref<2048xf32, #tpu.memory_space<hbm>>
    tpu.wait_dma2 semaphore(%arg21 : memref<!tpu.dma_semaphore, #tpu.memory_space<semaphore_mem>>) src(%dma_wait3A_12 : memref<2048xf32, #tpu.memory_space<hbm>>) dst(%arg9 : memref<2048xf32, #tpu.memory_space<vmem>>)
    %dma_wait3A_13 = tpu.memref_slice %arg3[%add3A_11] : memref<3276800xf32, #tpu.memory_space<hbm>> -> memref<2048xf32, #tpu.memory_space<hbm>>
    %dma_wait3A_14 = tpu.memref_slice %arg3[%add3A_11] : memref<3276800xf32, #tpu.memory_space<hbm>> -> memref<2048xf32, #tpu.memory_space<hbm>>
    tpu.wait_dma2 semaphore(%arg21 : memref<!tpu.dma_semaphore, #tpu.memory_space<semaphore_mem>>) src(%dma_wait3A_14 : memref<2048xf32, #tpu.memory_space<hbm>>) dst(%arg11 : memref<2048xf32, #tpu.memory_space<vmem>>)
    %dma_wait3A_15 = tpu.memref_slice %arg4[%add3A_11] : memref<3276800xi32, #tpu.memory_space<hbm>> -> memref<2048xi32, #tpu.memory_space<hbm>>
    %dma_wait3A_16 = tpu.memref_slice %arg4[%add3A_11] : memref<3276800xi32, #tpu.memory_space<hbm>> -> memref<2048xi32, #tpu.memory_space<hbm>>
    tpu.wait_dma2 semaphore(%arg21 : memref<!tpu.dma_semaphore, #tpu.memory_space<semaphore_mem>>) src(%dma_wait3A_16 : memref<2048xi32, #tpu.memory_space<hbm>>) dst(%arg13 : memref<2048xi32, #tpu.memory_space<vmem>>)
    %dma_start3A_17 = arith.constant 0 : i32
    %dma_start3A_18 = tpu.memref_slice %arg5[%dma_start3A_17] : memref<100352xf32, #tpu.memory_space<hbm>> -> memref<100352xf32, #tpu.memory_space<hbm>>
    tpu.enqueue_indirect_dma source(%dma_start3A_18 : memref<100352xf32, #tpu.memory_space<hbm>>) target(%arg15 : memref<2048xf32, #tpu.memory_space<vmem>>) offsets(%arg13 : memref<2048xi32, #tpu.memory_space<vmem>>) semaphore(%arg23 : memref<!tpu.dma_semaphore, #tpu.memory_space<semaphore_mem>>)
    %add3A_19 = arith.constant 2048 : i32
    %add3A_20 = arith.addi %mul3A_2, %add3A_19 : i32
    %dma_start3A_21 = tpu.memref_slice %arg2[%add3A_20] : memref<3276800xf32, #tpu.memory_space<hbm>> -> memref<2048xf32, #tpu.memory_space<hbm>>
    %dma_start3A_22 = tpu.memref_slice %arg2[%add3A_20] : memref<3276800xf32, #tpu.memory_space<hbm>> -> memref<2048xf32, #tpu.memory_space<hbm>>
    tpu.enqueue_dma source(%dma_start3A_22 : memref<2048xf32, #tpu.memory_space<hbm>>) target(%arg10 : memref<2048xf32, #tpu.memory_space<vmem>>) target_semaphore(%arg22 : memref<!tpu.dma_semaphore, #tpu.memory_space<semaphore_mem>>)
    %dma_start3A_23 = tpu.memref_slice %arg3[%add3A_20] : memref<3276800xf32, #tpu.memory_space<hbm>> -> memref<2048xf32, #tpu.memory_space<hbm>>
    %dma_start3A_24 = tpu.memref_slice %arg3[%add3A_20] : memref<3276800xf32, #tpu.memory_space<hbm>> -> memref<2048xf32, #tpu.memory_space<hbm>>
    tpu.enqueue_dma source(%dma_start3A_24 : memref<2048xf32, #tpu.memory_space<hbm>>) target(%arg12 : memref<2048xf32, #tpu.memory_space<vmem>>) target_semaphore(%arg22 : memref<!tpu.dma_semaphore, #tpu.memory_space<semaphore_mem>>)
    %dma_start3A_25 = tpu.memref_slice %arg4[%add3A_20] : memref<3276800xi32, #tpu.memory_space<hbm>> -> memref<2048xi32, #tpu.memory_space<hbm>>
    %dma_start3A_26 = tpu.memref_slice %arg4[%add3A_20] : memref<3276800xi32, #tpu.memory_space<hbm>> -> memref<2048xi32, #tpu.memory_space<hbm>>
    tpu.enqueue_dma source(%dma_start3A_26 : memref<2048xi32, #tpu.memory_space<hbm>>) target(%arg14 : memref<2048xi32, #tpu.memory_space<vmem>>) target_semaphore(%arg22 : memref<!tpu.dma_semaphore, #tpu.memory_space<semaphore_mem>>)
    %broadcast_in_dim3A = arith.constant 0.000000e+00 : f32
    %broadcast_in_dim3A_27 = vector.broadcast %broadcast_in_dim3A : f32 to vector<16xf32>
    %scan3A = arith.constant 0 : i32
    %scan3A_28 = arith.constant 25 : i32
    %scan3A_29 = arith.addi %scan3A, %scan3A_28 : i32
    %scan3A_30 = arith.constant 1 : i32
    %scan3A_31 = scf.for %scan3A_34 = %scan3A to %scan3A_29 step %scan3A_30 iter_args(%scan3A_35 = %broadcast_in_dim3A_27) -> (vector<16xf32>)  : i32 {
      %mul3A_36 = arith.constant 2 : i32
      %mul3A_37 = arith.muli %scan3A_34, %mul3A_36 : i32
      %add3A_38 = arith.constant 1 : i32
      %add3A_39 = arith.addi %mul3A_37, %add3A_38 : i32
      %lt3A = arith.constant 50 : i32
      %lt3A_40 = arith.cmpi slt, %add3A_39, %lt3A : i32
      %convert_element_type3A = arith.extui %lt3A_40 : i1 to i32
      %cond3A = arith.constant 0 : i32
      %cond3A_41 = arith.cmpi ne, %convert_element_type3A, %cond3A : i32
      scf.if %cond3A_41 {
        %add3A_81 = arith.constant 1 : i32
        %add3A_82 = arith.addi %mul3A_37, %add3A_81 : i32
        %mul3A_83 = arith.constant 2048 : i32
        %mul3A_84 = arith.muli %add3A_82, %mul3A_83 : i32
        %add3A_85 = arith.addi %mul3A_2, %mul3A_84 : i32
        %dma_wait3A_86 = tpu.memref_slice %arg2[%add3A_85] : memref<3276800xf32, #tpu.memory_space<hbm>> -> memref<2048xf32, #tpu.memory_space<hbm>>
        %dma_wait3A_87 = tpu.memref_slice %arg2[%add3A_85] : memref<3276800xf32, #tpu.memory_space<hbm>> -> memref<2048xf32, #tpu.memory_space<hbm>>
        tpu.wait_dma2 semaphore(%arg22 : memref<!tpu.dma_semaphore, #tpu.memory_space<semaphore_mem>>) src(%dma_wait3A_87 : memref<2048xf32, #tpu.memory_space<hbm>>) dst(%arg10 : memref<2048xf32, #tpu.memory_space<vmem>>)
        %dma_wait3A_88 = tpu.memref_slice %arg3[%add3A_85] : memref<3276800xf32, #tpu.memory_space<hbm>> -> memref<2048xf32, #tpu.memory_space<hbm>>
        %dma_wait3A_89 = tpu.memref_slice %arg3[%add3A_85] : memref<3276800xf32, #tpu.memory_space<hbm>> -> memref<2048xf32, #tpu.memory_space<hbm>>
        tpu.wait_dma2 semaphore(%arg22 : memref<!tpu.dma_semaphore, #tpu.memory_space<semaphore_mem>>) src(%dma_wait3A_89 : memref<2048xf32, #tpu.memory_space<hbm>>) dst(%arg12 : memref<2048xf32, #tpu.memory_space<vmem>>)
        %dma_wait3A_90 = tpu.memref_slice %arg4[%add3A_85] : memref<3276800xi32, #tpu.memory_space<hbm>> -> memref<2048xi32, #tpu.memory_space<hbm>>
        %dma_wait3A_91 = tpu.memref_slice %arg4[%add3A_85] : memref<3276800xi32, #tpu.memory_space<hbm>> -> memref<2048xi32, #tpu.memory_space<hbm>>
        tpu.wait_dma2 semaphore(%arg22 : memref<!tpu.dma_semaphore, #tpu.memory_space<semaphore_mem>>) src(%dma_wait3A_91 : memref<2048xi32, #tpu.memory_space<hbm>>) dst(%arg14 : memref<2048xi32, #tpu.memory_space<vmem>>)
        %dma_start3A_92 = arith.constant 0 : i32
        %dma_start3A_93 = tpu.memref_slice %arg5[%dma_start3A_92] : memref<100352xf32, #tpu.memory_space<hbm>> -> memref<100352xf32, #tpu.memory_space<hbm>>
        tpu.enqueue_indirect_dma source(%dma_start3A_93 : memref<100352xf32, #tpu.memory_space<hbm>>) target(%arg16 : memref<2048xf32, #tpu.memory_space<vmem>>) offsets(%arg14 : memref<2048xi32, #tpu.memory_space<vmem>>) semaphore(%arg24 : memref<!tpu.dma_semaphore, #tpu.memory_space<semaphore_mem>>)
      } else {
      }
      %dma_wait3A_42 = arith.constant 0 : i32
      %dma_wait3A_43 = tpu.memref_slice %arg5[%dma_wait3A_42] : memref<100352xf32, #tpu.memory_space<hbm>> -> memref<100352xf32, #tpu.memory_space<hbm>>
      tpu.wait_indirect_dma semaphore(%arg23 : memref<!tpu.dma_semaphore, #tpu.memory_space<semaphore_mem>>) src(%dma_wait3A_43 : memref<100352xf32, #tpu.memory_space<hbm>>) dst(%arg15 : memref<2048xf32, #tpu.memory_space<vmem>>)
      %scan3A_44 = arith.constant 0 : i32
      %scan3A_45 = arith.constant 128 : i32
      %scan3A_46 = arith.addi %scan3A_44, %scan3A_45 : i32
      %scan3A_47 = arith.constant 1 : i32
      %scan3A_48 = scf.for %scan3A_81 = %scan3A_44 to %scan3A_46 step %scan3A_47 iter_args(%scan3A_82 = %scan3A_35) -> (vector<16xf32>)  : i32 {
        %mul3A_83 = arith.constant 16 : i32
        %mul3A_84 = arith.muli %scan3A_81, %mul3A_83 : i32
        %get3A = arith.index_cast %mul3A_84 : i32 to index
        %get3A_85 = tpu.vector_load %arg9[%get3A] {strides = array<i32>} : memref<2048xf32, #tpu.memory_space<vmem>>, vector<16xf32>,
        %get3A_86 = arith.index_cast %mul3A_84 : i32 to index
        %get3A_87 = tpu.vector_load %arg15[%get3A_86] {strides = array<i32>} : memref<2048xf32, #tpu.memory_space<vmem>>, vector<16xf32>,
        %sub3A = arith.subf %get3A_85, %get3A_87 : vector<16xf32>
        %get3A_88 = arith.index_cast %mul3A_84 : i32 to index
        %get3A_89 = tpu.vector_load %arg17[%get3A_88] {strides = array<i32>} : memref<2048xf32, #tpu.memory_space<vmem>>, vector<16xf32>,
        %add3A_90 = arith.addf %sub3A, %get3A_89 : vector<16xf32>
        %get3A_91 = arith.index_cast %mul3A_84 : i32 to index
        %get3A_92 = tpu.vector_load %arg19[%get3A_91] {strides = array<i32>} : memref<2048xf32, #tpu.memory_space<vmem>>, vector<16xf32>,
        %add3A_93 = arith.addf %add3A_90, %get3A_92 : vector<16xf32>
        %get3A_94 = arith.index_cast %mul3A_84 : i32 to index
        %get3A_95 = tpu.vector_load %arg11[%get3A_94] {strides = array<i32>} : memref<2048xf32, #tpu.memory_space<vmem>>, vector<16xf32>,
        %add3A_96 = arith.addf %add3A_93, %get3A_95 : vector<16xf32>
        %mul3A_97 = arith.mulf %add3A_96, %add3A_96 : vector<16xf32>
        %add3A_98 = arith.addf %scan3A_82, %mul3A_97 : vector<16xf32>
        scf.yield %add3A_98 : vector<16xf32>
      }
      %scan3A_49 = arith.constant 128 : i32
      %add3A_50 = arith.constant 2 : i32
      %add3A_51 = arith.addi %mul3A_37, %add3A_50 : i32
      %lt3A_52 = arith.constant 50 : i32
      %lt3A_53 = arith.cmpi slt, %add3A_51, %lt3A_52 : i32
      %convert_element_type3A_54 = arith.extui %lt3A_53 : i1 to i32
      %cond3A_55 = arith.constant 0 : i32
      %cond3A_56 = arith.cmpi ne, %convert_element_type3A_54, %cond3A_55 : i32
      scf.if %cond3A_56 {
        %add3A_81 = arith.constant 2 : i32
        %add3A_82 = arith.addi %mul3A_37, %add3A_81 : i32
        %mul3A_83 = arith.constant 2048 : i32
        %mul3A_84 = arith.muli %add3A_82, %mul3A_83 : i32
        %add3A_85 = arith.addi %mul3A_2, %mul3A_84 : i32
        %dma_start3A_86 = tpu.memref_slice %arg2[%add3A_85] : memref<3276800xf32, #tpu.memory_space<hbm>> -> memref<2048xf32, #tpu.memory_space<hbm>>
        %dma_start3A_87 = tpu.memref_slice %arg2[%add3A_85] : memref<3276800xf32, #tpu.memory_space<hbm>> -> memref<2048xf32, #tpu.memory_space<hbm>>
        tpu.enqueue_dma source(%dma_start3A_87 : memref<2048xf32, #tpu.memory_space<hbm>>) target(%arg9 : memref<2048xf32, #tpu.memory_space<vmem>>) target_semaphore(%arg21 : memref<!tpu.dma_semaphore, #tpu.memory_space<semaphore_mem>>)
        %dma_start3A_88 = tpu.memref_slice %arg3[%add3A_85] : memref<3276800xf32, #tpu.memory_space<hbm>> -> memref<2048xf32, #tpu.memory_space<hbm>>
        %dma_start3A_89 = tpu.memref_slice %arg3[%add3A_85] : memref<3276800xf32, #tpu.memory_space<hbm>> -> memref<2048xf32, #tpu.memory_space<hbm>>
        tpu.enqueue_dma source(%dma_start3A_89 : memref<2048xf32, #tpu.memory_space<hbm>>) target(%arg11 : memref<2048xf32, #tpu.memory_space<vmem>>) target_semaphore(%arg21 : memref<!tpu.dma_semaphore, #tpu.memory_space<semaphore_mem>>)
        %dma_start3A_90 = tpu.memref_slice %arg4[%add3A_85] : memref<3276800xi32, #tpu.memory_space<hbm>> -> memref<2048xi32, #tpu.memory_space<hbm>>
        %dma_start3A_91 = tpu.memref_slice %arg4[%add3A_85] : memref<3276800xi32, #tpu.memory_space<hbm>> -> memref<2048xi32, #tpu.memory_space<hbm>>
        tpu.enqueue_dma source(%dma_start3A_91 : memref<2048xi32, #tpu.memory_space<hbm>>) target(%arg13 : memref<2048xi32, #tpu.memory_space<vmem>>) target_semaphore(%arg21 : memref<!tpu.dma_semaphore, #tpu.memory_space<semaphore_mem>>)
      } else {
      }
      %add3A_57 = arith.constant 1 : i32
      %add3A_58 = arith.addi %mul3A_37, %add3A_57 : i32
      %add3A_59 = arith.constant 1 : i32
      %add3A_60 = arith.addi %add3A_58, %add3A_59 : i32
      %lt3A_61 = arith.constant 50 : i32
      %lt3A_62 = arith.cmpi slt, %add3A_60, %lt3A_61 : i32
      %convert_element_type3A_63 = arith.extui %lt3A_62 : i1 to i32
      %cond3A_64 = arith.constant 0 : i32
      %cond3A_65 = arith.cmpi ne, %convert_element_type3A_63, %cond3A_64 : i32
      scf.if %cond3A_65 {
        %add3A_81 = arith.constant 1 : i32
        %add3A_82 = arith.addi %add3A_58, %add3A_81 : i32
        %mul3A_83 = arith.constant 2048 : i32
        %mul3A_84 = arith.muli %add3A_82, %mul3A_83 : i32
        %add3A_85 = arith.addi %mul3A_2, %mul3A_84 : i32
        %dma_wait3A_86 = tpu.memref_slice %arg2[%add3A_85] : memref<3276800xf32, #tpu.memory_space<hbm>> -> memref<2048xf32, #tpu.memory_space<hbm>>
        %dma_wait3A_87 = tpu.memref_slice %arg2[%add3A_85] : memref<3276800xf32, #tpu.memory_space<hbm>> -> memref<2048xf32, #tpu.memory_space<hbm>>
        tpu.wait_dma2 semaphore(%arg21 : memref<!tpu.dma_semaphore, #tpu.memory_space<semaphore_mem>>) src(%dma_wait3A_87 : memref<2048xf32, #tpu.memory_space<hbm>>) dst(%arg9 : memref<2048xf32, #tpu.memory_space<vmem>>)
        %dma_wait3A_88 = tpu.memref_slice %arg3[%add3A_85] : memref<3276800xf32, #tpu.memory_space<hbm>> -> memref<2048xf32, #tpu.memory_space<hbm>>
        %dma_wait3A_89 = tpu.memref_slice %arg3[%add3A_85] : memref<3276800xf32, #tpu.memory_space<hbm>> -> memref<2048xf32, #tpu.memory_space<hbm>>
        tpu.wait_dma2 semaphore(%arg21 : memref<!tpu.dma_semaphore, #tpu.memory_space<semaphore_mem>>) src(%dma_wait3A_89 : memref<2048xf32, #tpu.memory_space<hbm>>) dst(%arg11 : memref<2048xf32, #tpu.memory_space<vmem>>)
        %dma_wait3A_90 = tpu.memref_slice %arg4[%add3A_85] : memref<3276800xi32, #tpu.memory_space<hbm>> -> memref<2048xi32, #tpu.memory_space<hbm>>
        %dma_wait3A_91 = tpu.memref_slice %arg4[%add3A_85] : memref<3276800xi32, #tpu.memory_space<hbm>> -> memref<2048xi32, #tpu.memory_space<hbm>>
        tpu.wait_dma2 semaphore(%arg21 : memref<!tpu.dma_semaphore, #tpu.memory_space<semaphore_mem>>) src(%dma_wait3A_91 : memref<2048xi32, #tpu.memory_space<hbm>>) dst(%arg13 : memref<2048xi32, #tpu.memory_space<vmem>>)
        %dma_start3A_92 = arith.constant 0 : i32
        %dma_start3A_93 = tpu.memref_slice %arg5[%dma_start3A_92] : memref<100352xf32, #tpu.memory_space<hbm>> -> memref<100352xf32, #tpu.memory_space<hbm>>
        tpu.enqueue_indirect_dma source(%dma_start3A_93 : memref<100352xf32, #tpu.memory_space<hbm>>) target(%arg15 : memref<2048xf32, #tpu.memory_space<vmem>>) offsets(%arg13 : memref<2048xi32, #tpu.memory_space<vmem>>) semaphore(%arg23 : memref<!tpu.dma_semaphore, #tpu.memory_space<semaphore_mem>>)
      } else {
      }
      %dma_wait3A_66 = arith.constant 0 : i32
      %dma_wait3A_67 = tpu.memref_slice %arg5[%dma_wait3A_66] : memref<100352xf32, #tpu.memory_space<hbm>> -> memref<100352xf32, #tpu.memory_space<hbm>>
      tpu.wait_indirect_dma semaphore(%arg24 : memref<!tpu.dma_semaphore, #tpu.memory_space<semaphore_mem>>) src(%dma_wait3A_67 : memref<100352xf32, #tpu.memory_space<hbm>>) dst(%arg16 : memref<2048xf32, #tpu.memory_space<vmem>>)
      %scan3A_68 = arith.constant 0 : i32
      %scan3A_69 = arith.constant 128 : i32
      %scan3A_70 = arith.addi %scan3A_68, %scan3A_69 : i32
      %scan3A_71 = arith.constant 1 : i32
      %scan3A_72 = scf.for %scan3A_81 = %scan3A_68 to %scan3A_70 step %scan3A_71 iter_args(%scan3A_82 = %scan3A_48) -> (vector<16xf32>)  : i32 {
        %mul3A_83 = arith.constant 16 : i32
        %mul3A_84 = arith.muli %scan3A_81, %mul3A_83 : i32
        %get3A = arith.index_cast %mul3A_84 : i32 to index
        %get3A_85 = tpu.vector_load %arg10[%get3A] {strides = array<i32>} : memref<2048xf32, #tpu.memory_space<vmem>>, vector<16xf32>,
        %get3A_86 = arith.index_cast %mul3A_84 : i32 to index
        %get3A_87 = tpu.vector_load %arg16[%get3A_86] {strides = array<i32>} : memref<2048xf32, #tpu.memory_space<vmem>>, vector<16xf32>,
        %sub3A = arith.subf %get3A_85, %get3A_87 : vector<16xf32>
        %get3A_88 = arith.index_cast %mul3A_84 : i32 to index
        %get3A_89 = tpu.vector_load %arg18[%get3A_88] {strides = array<i32>} : memref<2048xf32, #tpu.memory_space<vmem>>, vector<16xf32>,
        %add3A_90 = arith.addf %sub3A, %get3A_89 : vector<16xf32>
        %get3A_91 = arith.index_cast %mul3A_84 : i32 to index
        %get3A_92 = tpu.vector_load %arg20[%get3A_91] {strides = array<i32>} : memref<2048xf32, #tpu.memory_space<vmem>>, vector<16xf32>,
        %add3A_93 = arith.addf %add3A_90, %get3A_92 : vector<16xf32>
        %get3A_94 = arith.index_cast %mul3A_84 : i32 to index
        %get3A_95 = tpu.vector_load %arg12[%get3A_94] {strides = array<i32>} : memref<2048xf32, #tpu.memory_space<vmem>>, vector<16xf32>,
        %add3A_96 = arith.addf %add3A_93, %get3A_95 : vector<16xf32>
        %mul3A_97 = arith.mulf %add3A_96, %add3A_96 : vector<16xf32>
        %add3A_98 = arith.addf %scan3A_82, %mul3A_97 : vector<16xf32>
        scf.yield %add3A_98 : vector<16xf32>
      }
      %scan3A_73 = arith.constant 128 : i32
      %add3A_74 = arith.constant 2 : i32
      %add3A_75 = arith.addi %add3A_58, %add3A_74 : i32
      %lt3A_76 = arith.constant 50 : i32
      %lt3A_77 = arith.cmpi slt, %add3A_75, %lt3A_76 : i32
      %convert_element_type3A_78 = arith.extui %lt3A_77 : i1 to i32
      %cond3A_79 = arith.constant 0 : i32
      %cond3A_80 = arith.cmpi ne, %convert_element_type3A_78, %cond3A_79 : i32
      scf.if %cond3A_80 {
        %add3A_81 = arith.constant 2 : i32
        %add3A_82 = arith.addi %add3A_58, %add3A_81 : i32
        %mul3A_83 = arith.constant 2048 : i32
        %mul3A_84 = arith.muli %add3A_82, %mul3A_83 : i32
        %add3A_85 = arith.addi %mul3A_2, %mul3A_84 : i32
        %dma_start3A_86 = tpu.memref_slice %arg2[%add3A_85] : memref<3276800xf32, #tpu.memory_space<hbm>> -> memref<2048xf32, #tpu.memory_space<hbm>>
        %dma_start3A_87 = tpu.memref_slice %arg2[%add3A_85] : memref<3276800xf32, #tpu.memory_space<hbm>> -> memref<2048xf32, #tpu.memory_space<hbm>>
        tpu.enqueue_dma source(%dma_start3A_87 : memref<2048xf32, #tpu.memory_space<hbm>>) target(%arg10 : memref<2048xf32, #tpu.memory_space<vmem>>) target_semaphore(%arg22 : memref<!tpu.dma_semaphore, #tpu.memory_space<semaphore_mem>>)
        %dma_start3A_88 = tpu.memref_slice %arg3[%add3A_85] : memref<3276800xf32, #tpu.memory_space<hbm>> -> memref<2048xf32, #tpu.memory_space<hbm>>
        %dma_start3A_89 = tpu.memref_slice %arg3[%add3A_85] : memref<3276800xf32, #tpu.memory_space<hbm>> -> memref<2048xf32, #tpu.memory_space<hbm>>
        tpu.enqueue_dma source(%dma_start3A_89 : memref<2048xf32, #tpu.memory_space<hbm>>) target(%arg12 : memref<2048xf32, #tpu.memory_space<vmem>>) target_semaphore(%arg22 : memref<!tpu.dma_semaphore, #tpu.memory_space<semaphore_mem>>)
        %dma_start3A_90 = tpu.memref_slice %arg4[%add3A_85] : memref<3276800xi32, #tpu.memory_space<hbm>> -> memref<2048xi32, #tpu.memory_space<hbm>>
        %dma_start3A_91 = tpu.memref_slice %arg4[%add3A_85] : memref<3276800xi32, #tpu.memory_space<hbm>> -> memref<2048xi32, #tpu.memory_space<hbm>>
        tpu.enqueue_dma source(%dma_start3A_91 : memref<2048xi32, #tpu.memory_space<hbm>>) target(%arg14 : memref<2048xi32, #tpu.memory_space<vmem>>) target_semaphore(%arg22 : memref<!tpu.dma_semaphore, #tpu.memory_space<semaphore_mem>>)
      } else {
      }
      scf.yield %scan3A_72 : vector<16xf32>
    }
    %scan3A_32 = arith.constant 25 : i32
    %swap3A = arith.constant 0 : index
    %swap3A_33 = tpu.vector_load %arg25[%swap3A] {strides = array<i32>} : memref<16xf32, #tpu.memory_space<vmem>>, vector<16xf32>,
    tpu.vector_store %arg25[%swap3A], %scan3A_31 {strides = array<i32>} : memref<16xf32, #tpu.memory_space<vmem>>, vector<16xf32>,
    "tpu.region"() ({
      %run_scoped3A = tpu.sem_alloc : memref<!tpu.dma_semaphore, #tpu.memory_space<semaphore_mem>>
      %dma_start3A_34 = arith.constant 0 : i32
      %dma_start3A_35 = tpu.memref_slice %arg8[%add3A, %dma_start3A_34] : memref<32x16xf32, #tpu.memory_space<hbm>> -> memref<1x16xf32, #tpu.memory_space<hbm>>
      %dma_start3A_36 = tpu.memref_squeeze %dma_start3A_35 : memref<1x16xf32, #tpu.memory_space<hbm>> -> memref<16xf32, #tpu.memory_space<hbm>>
      %dma_start3A_37 = arith.constant 0 : i32
      %dma_start3A_38 = tpu.memref_slice %arg8[%add3A, %dma_start3A_37] : memref<32x16xf32, #tpu.memory_space<hbm>> -> memref<1x16xf32, #tpu.memory_space<hbm>>
      %dma_start3A_39 = tpu.memref_squeeze %dma_start3A_38 : memref<1x16xf32, #tpu.memory_space<hbm>> -> memref<16xf32, #tpu.memory_space<hbm>>
      tpu.enqueue_dma source(%arg25 : memref<16xf32, #tpu.memory_space<vmem>>) target(%dma_start3A_39 : memref<16xf32, #tpu.memory_space<hbm>>) target_semaphore(%run_scoped3A : memref<!tpu.dma_semaphore, #tpu.memory_space<semaphore_mem>>)
      %dma_wait3A_40 = arith.constant 0 : i32
      %dma_wait3A_41 = tpu.memref_slice %arg8[%add3A, %dma_wait3A_40] : memref<32x16xf32, #tpu.memory_space<hbm>> -> memref<1x16xf32, #tpu.memory_space<hbm>>
      %dma_wait3A_42 = tpu.memref_squeeze %dma_wait3A_41 : memref<1x16xf32, #tpu.memory_space<hbm>> -> memref<16xf32, #tpu.memory_space<hbm>>
      %dma_wait3A_43 = arith.constant 0 : i32
      %dma_wait3A_44 = tpu.memref_slice %arg8[%add3A, %dma_wait3A_43] : memref<32x16xf32, #tpu.memory_space<hbm>> -> memref<1x16xf32, #tpu.memory_space<hbm>>
      %dma_wait3A_45 = tpu.memref_squeeze %dma_wait3A_44 : memref<1x16xf32, #tpu.memory_space<hbm>> -> memref<16xf32, #tpu.memory_space<hbm>>
      tpu.wait_dma2 semaphore(%run_scoped3A : memref<!tpu.dma_semaphore, #tpu.memory_space<semaphore_mem>>) src(%arg25 : memref<16xf32, #tpu.memory_space<vmem>>) dst(%dma_wait3A_45 : memref<16xf32, #tpu.memory_space<hbm>>)
      tpu.yield
    }) : () -> ()
    return
  }
}

</mosaic_0001>

<sc_bundles>
// kernel: kernel.4.cloned.1.call-start
scs
__scs_entry_jumppad:
0x0: {  	(pc) =	sbr.rel $0x88, $3  }
0x1: {  	(tag) =	ssettag $0x0;
	lr =	simm.s32 $0x1  }
0x2: {  	[smem:$0x3F9B] =	sst lr;
	_ =	strace $0xD0000000  }
0x3: {  	_ = 	snop  }
0x4: {  	_ = 	snop  }
0x5: {  	_ = 	snop  }
0x6: {  	_ = 	snop  }
0x7: {  	_ = 	snop  }
__scs_overlays_trampoline_lowered:
0x8: {  	[smem:$0x3FAA] =	sst s0  }
0x9: {  	[smem:$0x3FAB] =	sst s1  }
0xa: {  	[smem:$0x3FAC] =	sst s2  }
0xb: {  	[smem:$0x3FAD] =	sst s3  }
0xc: {  	[smem:$0x3FAE] =	sst s4  }
0xd: {  	[smem:$0x3FAF] =	sst s5  }
0xe: {  	[smem:$0x3FB0] =	sst s6  }
0xf: {  	[smem:$0x3FB1] =	sst s7  }
0x10: {  	[smem:$0x3FB2] =	sst s8  }
0x11: {  	[smem:$0x3FB3] =	sst s9;
	s0 =	simm.s32 @!p0 $0x0  }
0x12: {  	s1 =	sld [smem:$0x3F99];
	s0 =	simm.s32 @p0 $0x1  }
0x13: {  	[smem:$0x3FB4] =	sst s0;
	s0 =	simm.s32 @!p1 $0x0  }
0x14: {  	s2 =	sld [smem:$0x3F98];
	s0 =	simm.s32 @p1 $0x1  }
0x15: {  	[smem:$0x3FB5] =	sst s0;
	s0 =	simm.s32 @!p2 $0x0  }
0x16: {  	s3 =	sld [smem:$0x3FDB];
	s0 =	simm.s32 @p2 $0x1  }
0x17: {  	s4 =	simm.s32 $0x1BF5;
	[smem:$0x3FB7] =	sst s0  }
0x18: {  	s0 =	sld [smem:$0x3F9A];
	_ =	swait.ge [sflag:s4], $0x0  }
0x19: {  	s7 =	sld [smem:$0x3F9B]  }
0x1a: {  	s8 =	sadd.s32 $0xFFFFE003, lr  }
0x1b: {  	s9 =	sadd.s32 $0xFFFFFEF7, lr;
	s5 =	simm.s32 $0xFFFFFFFF;
	p2 =	slt.u32 s8, $0xFFFFF086  }
0x1c: {  	p1 =	slt.u32 s9, $0xF7A;
	s5 =	simm.s32 @!p2 $0x0  }
0x1d: {  	s5 =	simm.s32 @p1 $0x1;
	p0 =	seq.s32 s7, s2  }
0x1e: {  	s7 =	smul.u32 @!p0 $0xF7A, s2;
	p2 =	seq.s32 @!p0 s5, $0x0  }
0x1f: {  	s9 =	smul.u32 $0xF7A, s1;
	s8 =	simm.s32 @!p0 $0x1BF5;
	p2 =	por !p2, p0  }
0x20: {  	[sflag:s8] =	ssyncset.s32 @!p0 $0xFFFFF086;
	s6 =	sadd.s32 @!p0 s3, s7;
	s7 =	simm.s32 @!p0 $0x108  }
0x21: {  	s3 =	sadd.s32 s3, s9;
	s6 =	sadd.s32 @!p0 $0x88, s6;
	s7 =	simm.s32 @p2 $0x1082  }
0x22: {  	[simem:s7], [sflag:s8] =	dma.local @!p0 [hbm:s6], $0xF7A  }
0x23: {  	s9 =	sor.u32 $0xD0000000, s2;
	s6 =	simm.s32 $0x108;
	_ =	swait.ge @!p0 [sflag:s8], $0x0  }
0x24: {  	s3 =	sadd.s32 $0x88, s3;
	s6 =	simm.s32 @!p1 $0x1082;
	[sflag:s4] =	ssyncset.s32 $0xFFFFF086  }
0x25: {  	[simem:s6], [sflag:s4] =	dma.local [hbm:s3], $0xF7A  }
0x26: {  	[smem:$0x3F9B] =	sst s1;
	(tag) =	ssettag s2;
	_ =	strace s9  }
0x27: {  	s1 =	sld [smem:$0x3FAB]  }
0x28: {  	s2 =	sld [smem:$0x3FAC]  }
0x29: {  	s4 =	sld [smem:$0x3FAE]  }
0x2a: {  	p0 =	seq.s32 s5, $0x0;
	s5 =	sld [smem:$0x3FAF]  }
0x2b: {  	s6 =	sld [smem:$0x3FB0]  }
0x2c: {  	s7 =	sld [smem:$0x3FB1]  }
0x2d: {  	s3 =	simm.s32 $0x108;
	s8 =	sld [smem:$0x3FB2]  }
0x2e: {  	s3 =	simm.s32 @!p0 $0x1082;
	s9 =	sld [smem:$0x3FB3]  }
0x2f: {  	lr =	sadd.s32 s0, s3;
	s0 =	sld [smem:$0x3FAA]  }
0x30: {  	s3 =	sld [smem:$0x3FAD]  }
0x31: {  	[smem:$0x3FB6] =	sst s10  }
0x32: {  	s10 =	sld [smem:$0x3FB4];
	_ =	sdelay $0x3  }
0x33: {  	p0 =	seq.s32 s10, $0x1;
	s10 =	sld [smem:$0x3FB6];
	_ =	sdelay $0x3  }
0x34: {  	[smem:$0x3FB6] =	sst s10  }
0x35: {  	s10 =	sld [smem:$0x3FB5];
	_ =	sdelay $0x3  }
0x36: {  	p1 =	seq.s32 s10, $0x1;
	s10 =	sld [smem:$0x3FB6];
	_ =	sdelay $0x3  }
0x37: {  	[smem:$0x3FB6] =	sst s10  }
0x38: {  	s10 =	sld [smem:$0x3FB7]  }
0x39: {  	_ = 	snop;
	(pc) =	sbr.ind lr, $3  }
0x3a: {  	_ = 	snop  }
0x3b: {  	_ = 	snop  }
0x3c: {  	p2 =	seq.s32 s10, $0x1;
	s10 =	sld [smem:$0x3FB6]  }
0x3d: {  	_ =	shalt  }
0x3e: {  	_ =	shalt  }
0x3f: {  	_ =	shalt  }
0x40: {  	_ =	shalt  }
0x41: {  	_ =	shalt  }
0x42: {  	_ =	shalt  }
0x43: {  	_ =	shalt  }
0x44: {  	_ =	shalt  }
0x45: {  	_ =	shalt  }
0x46: {  	_ =	shalt  }
0x47: {  	_ =	shalt  }
0x48: {  	_ =	shalt  }
0x49: {  	_ =	shalt  }
0x4a: {  	_ =	shalt  }
0x4b: {  	_ =	shalt  }
0x4c: {  	_ =	shalt  }
0x4d: {  	_ =	shalt  }
0x4e: {  	_ =	shalt  }
0x4f: {  	_ =	shalt  }
0x50: {  	_ =	shalt  }
0x51: {  	_ =	shalt  }
0x52: {  	_ =	shalt  }
0x53: {  	_ =	shalt  }
0x54: {  	_ =	shalt  }
0x55: {  	_ =	shalt  }
0x56: {  	_ =	shalt  }
0x57: {  	_ =	shalt  }
0x58: {  	_ =	shalt  }
0x59: {  	_ =	shalt  }
0x5a: {  	_ =	shalt  }
0x5b: {  	_ =	shalt  }
0x5c: {  	_ =	shalt  }
0x5d: {  	_ =	shalt  }
0x5e: {  	_ =	shalt  }
0x5f: {  	_ =	shalt  }
0x60: {  	_ =	shalt  }
0x61: {  	_ =	shalt  }
0x62: {  	_ =	shalt  }
0x63: {  	_ =	shalt  }
0x64: {  	_ =	shalt  }
0x65: {  	_ =	shalt  }
0x66: {  	_ =	shalt  }
0x67: {  	_ =	shalt  }
0x68: {  	_ =	shalt  }
0x69: {  	_ =	shalt  }
0x6a: {  	_ =	shalt  }
0x6b: {  	_ =	shalt  }
0x6c: {  	_ =	shalt  }
0x6d: {  	_ =	shalt  }
0x6e: {  	_ =	shalt  }
0x6f: {  	_ =	shalt  }
0x70: {  	_ =	shalt  }
0x71: {  	_ =	shalt  }
0x72: {  	_ =	shalt  }
0x73: {  	_ =	shalt  }
0x74: {  	_ =	shalt  }
0x75: {  	_ =	shalt  }
0x76: {  	_ =	shalt  }
0x77: {  	_ =	shalt  }
0x78: {  	_ =	shalt  }
0x79: {  	_ =	shalt  }
0x7a: {  	_ =	shalt  }
0x7b: {  	_ =	shalt  }
0x7c: {  	_ =	shalt  }
0x7d: {  	_ =	shalt  }
0x7e: {  	_ =	shalt  }
0x7f: {  	_ =	shalt  }
0x80: {  	_ =	shalt  }
0x81: {  	_ =	shalt  }
0x82: {  	_ =	shalt  }
0x83: {  	_ =	shalt  }
0x84: {  	_ =	shalt  }
0x85: {  	_ =	shalt  }
0x86: {  	_ =	shalt  }
0x87: {  	_ =	shalt  }
.Lfunc_end0:
.L_simem_size_0:
called_computation_lowered:
.L_overlay_start_0:
0x88: {  	s2 =	sld [smem:$0x3FD9]  }
0x89: {  	s3 =	sld [smem:$0x3FFE];
	_ =	sdelay $0x1  }
0x8a: {  	s1 =	srdreg.scid  }
0x8b: {  	s0 =	sand.u32 $0x1, s1  }
0x8c: {  	s16 =	sshll.u32 s0, $0xA;
	s2 =	sadd.s32 s3, s2  }
0x8d: {  	s2 =	sadd.s32 s2, s16  }
0x8e: {  	[smem:$0x3FC2] =	sst s2  }
0x8f: {  	_ = 	snop  }
0x90: {  	(tm) =	ssettm $0x1  }
0x91: {  	s17 =	sld [smem:$0x3FFB];
	_ =	sdelay $0x3  }
0x92: {  	_ =	strace s17  }
0x93: {  	s2 =	sld [smem:$0x3FFC];
	_ =	sdelay $0x3  }
0x94: {  	_ =	strace s2  }
0x95: {  	s2 =	sld [smem:$0x3FFD];
	_ =	sdelay $0x3  }
0x96: {  	_ =	strace s2  }
0x97: {  	_ =	strace $0x8FFFFFFF  }
0x98: {  	s18 =	sld [smem:$0x3FDB];
	_ =	sdelay $0x1  }
0x99: {  	s19 =	simm.s32 $_scs_section_size  }
0x9a: {  	s4 =	simm.s32 $_size__tile_overlayer_lowered;
	s5 =	simm.s32 $_tile_overlayer_lowered  }
0x9b: {  	s22 =	simm.s32 $0x1BFF;
	s21 =	sshll.u32 s5, $0x1;
	s2 =	sadd.s32 s19, s18  }
0x9c: {  	s6 =	simm.s32 $0x0;
	s20 =	sshll.u32 s4, $0x1;
	s4 =	sadd.s32 s21, s2  }
0x9d: {  	[timem:s6], [sflag:s22] =	dma.local [hbm:s4], s20  }
0x9e: {  	_ =	swait.ge [sflag:s22], s20  }
0x9f: {  	s3 =	ssub.s32 $0x0, s20;
	[sflag:s22] =	ssyncset.done $0x0  }
0xa0: {  	[sflag:s22] =	ssyncadd.s32 s3;
	_ =	sdelay $0x1  }
0xa1: {  	s23 =	simm.s32 $0x1B8B  }
0xa2: {  	_ =	swait.ge [sflag:s23], $0x1  }
0xa3: {  	[sflag:s23] =	ssyncset.done $0x0  }
0xa4: {  	s25 =	simm.s32 $0x1B8E;
	s24 =	sld [smem:$0x3FFE];
	[sflag:s23] =	ssyncadd.s32 $0xFFFFFFFF  }
0xa5: {  	s26 =	simm.s32 $execute0_lowered;
	[smem:$0x3FD2] =	sst s25  }
0xa6: {  	s4 =	sshll.u32 s26, $0x1;
	_ =	strace $0x80000046;
	[dreg:$0x1] =	wrdreg $0xFFFFFFFF  }
0xa7: {  	s28 =	simm.s32 $_size_execute0_lowered;
	s2 =	sadd.s32 s2, s4;
	[dreg:$0x0] =	wrdreg $0x0  }
0xa8: {  	s4 =	sshll.u32 s28, $0x1;
	[dreg:$0x2] =	wrdreg s2  }
0xa9: {  	[dreg:$0x3] =	wrdreg s4  }
0xaa: {  	[dreg:$0x4] =	wrdreg $0xC0  }
0xab: {  	_ =	task [dreg:s6], $0x5FFFF  }
0xac: {  	[dreg:$0x1] =	wrdreg $0xFFFFFFFF  }
0xad: {  	[dreg:$0x0] =	wrdreg $0x60  }
0xae: {  	[dreg:$0x2] =	wrdreg s24  }
0xaf: {  	[dreg:$0x3] =	wrdreg $0x9  }
0xb0: {  	_ =	task.clear_ibuf [dreg:s6], $0x4FFFF;
	_ =	strace $0x90000046  }
0xb1: {  	s29 =	simm.s32 $0x9;
	_ =	strace $0x80000048  }
0xb2: {  	_ =	swait.ge [sflag:s29], $0x1  }
0xb3: {  	[sflag:s29] =	ssyncadd.s32 $0xFFFFFFFF  }
0xb4: {  	_ =	strace $0x90000048  }
0xb5: {  	_ =	sfence  }
0xb6: {  	s30 =	sld [smem:$0x0];
	_ =	sdelay $0x2  }
0xb7: {  	s31 =	sshll.u32 s1, $0xD;
	s1 =	sshrl.u32 s1, $0x2  }
0xb8: {  	s3 =	sand.u32 $0x4000, s31;
	s1 =	sadd.s32 s1, s30  }
0xb9: {  	s0 =	sor.u32 s3, s0;
	s1 =	sshll.u32 s1, $0x11  }
0xba: {  	s0 =	sor.u32 s1, s0  }
0xbb: {  	s0 =	sadd.s32 $0x8F2B, s0  }
0xbc: {  	[sflag:s0] =	ssyncadd.remote.s32 $0x1  }
0xbd: {  	_ =	sfence.sel $0xFFFF  }
0xbe: {  	[dreg:$0x0] =	wrdreg $0xFFFFFFFF;
	(pc) =	sbr.abs _section_cstart, $3  }
0xbf: {  	[dreg:$0x1] =	wrdreg $0xFFFFFFFF  }
0xc0: {  	_ =	task.clear_ibuf [dreg:s6], $0x2FFFF;
	_ =	strace $0x9FFFFFFF  }
0xc1: {  	(tm) =	ssettm $0x7FFFFFFF  }
tec
execute0_lowered:
.L_overlay_start_1:
0x0: {  	(tag) =	ssettag $0x1  }
0x1: {  	s1 =	srdreg.scid;
	s0 =	stileid.u32  }
0x2: {  	s4 =	rddreg [dreg:$0x0];
	s2 =	simm.s32 $0x0;
	s10 =	simm.s32 $0x1  }
0x3: {  	s11 =	simm.s32 $0xC80;
	s3 =	sand.u32 $0x1, s1;
	s30 =	sshll.u32 s0, $0x1  }
0x4: {  	s12 =	simm.s32 $0x1900;
	s5 =	sor.u32 s3, s30;
	s3 =	ssub.s32 $0x2, s3  }
0x5: {  	s1 =	rddreg [dreg:$0x1];
	s5 =	smul.u32 $0x188, s5;
	s31 =	sshrl.u32 s3, $0x1  }
0x6: {  	s13 =	simm.s32 $0x0;
	[smem:$0x7FF] =	sst s2;
	s9 =	ssub.s32 s3, s31  }
0x7: {  	_ =	strace $0x80000047;
	s8 =	sadd.s32 s5, s4;
	s9 =	smax.u32 s9, $0x1  }
0x8: {  	s3 =	sadd.s32 $0x800, s8;
	s4 =	sadd.s32 $0x3A00, s8;
	s5 =	sadd.s32 $0x6C00, s8  }
0x9: {  	s6 =	sadd.s32 $0x9E00, s8;
	s7 =	sadd.s32 $0xD000, s8;
	s8 =	sadd.s32 $0x10200, s8  }
.LBB2_1:
0xa: {  	[tilespmem:s2], [sflag:$0x1] =	stream.linear.gather [hbm4b:s3+s2], $0xC40, $0x38;
	[tilespmem:$0x2580] =	vst v63  }
0xb: {  	_ =	swait.ge [sflag:s10], $0xC40  }
0xc: {  	[sflag:s10] =	ssyncset.done $0x0  }
0xd: {  	[sflag:s10] =	ssyncadd.s32 $0xFFFFF3C0  }
0xe: {  	[tilespmem:s11], [sflag:$0x1] =	stream.linear.gather [hbm4b:s4+s2], $0xC40, $0x38;
	[tilespmem:$0x2580] =	vst v63  }
0xf: {  	_ =	swait.ge [sflag:s10], $0xC40  }
0x10: {  	[sflag:s10] =	ssyncset.done $0x0  }
0x11: {  	[sflag:s10] =	ssyncadd.s32 $0xFFFFF3C0  }
0x12: {  	[tilespmem:s12], [sflag:$0x1] =	stream.linear.gather [hbm4b:s5+s2], $0xC40, $0x38;
	[tilespmem:$0x2580] =	vst v63  }
0x13: {  	_ =	swait.ge [sflag:s10], $0xC40  }
0x14: {  	[sflag:s10] =	ssyncset.done $0x0  }
0x15: {  	s14 =	simm.s32 $0x0;
	s15 =	simm.s32 $0x40;
	[sflag:s10] =	ssyncadd.s32 $0xFFFFF3C0  }
.LBB2_2:
0x16: {  	p0 =	sne.s32 s15, $0x30C0;
	v0 =	vld [tilespmem:s14+$0x1900];
	_ =	sdelay $0x4  }
0x17: {  	v0 =	vsub.f32 $0.0e+00, v0;
	_ =	sdelay $0x1  }
0x18: {  	v0 =	vmul.f32 $1.442695020e+00, v0;
	_ =	sdelay $0x1  }
0x19: {  	(erf) = vpow2.f32 v0;
	_ =	sdelay $0x8  }
0x1a: {  	v0 =	vpop (erf)  }
0x1b: {  	v0 =	vadd.f32 $1.000000000e+00, v0;
	_ =	sdelay $0x1  }
0x1c: {  	(erf) = vrcp.f32 v0;
	_ =	sdelay $0x3  }
0x1d: {  	v0 =	vld [tilespmem:s14+$0x0]  }
0x1e: {  	v1 =	vld [tilespmem:s14+$0xC80];
	_ =	sdelay $0x2  }
.Ltmp0:
0x1f: {  	(pc) =	sbr.rel @p0 .LBB2_2-.Ltmp0, $4  }
0x20: {  	v0 =	vmax.f32 v0, $0.0e+00;
	v2 =	vpop (erf)  }
0x21: {  	[tilespmem:s14+$0x0] =	vst v0;
	v0 =	vmax.f32 v1, $0.0e+00;
	v1 =	vmul.f32 $2.000000030e-01, v2  }
0x22: {  	[tilespmem:s14+$0xC80] =	vst v0  }
0x23: {  	[tilespmem:s14+$0x1900] =	vst v1;
	s14 =	sshra.s32 s15, $0x2;
	s15 =	sadd.s32 $0x40, s15  }
0x24: {  	v0 =	vld [tilespmem:s14+$0x1900];
	_ =	sdelay $0x4  }
0x25: {  	v0 =	vsub.f32 $0.0e+00, v0;
	_ =	sdelay $0x1  }
0x26: {  	v0 =	vmul.f32 $1.442695020e+00, v0;
	_ =	sdelay $0x1  }
0x27: {  	(erf) = vpow2.f32 v0;
	_ =	sdelay $0x8  }
0x28: {  	v0 =	vpop (erf)  }
0x29: {  	v0 =	vadd.f32 $1.000000000e+00, v0;
	_ =	sdelay $0x1  }
0x2a: {  	(erf) = vrcp.f32 v0;
	_ =	sdelay $0x3  }
0x2b: {  	v1 =	vld [tilespmem:s14+$0xC80]  }
0x2c: {  	v61 =	vld [tilespmem:s14+$0x0];
	_ =	sdelay $0x3  }
0x2d: {  	v62 =	vmax.f32 v1, $0.0e+00;
	v2 =	vpop (erf)  }
0x2e: {  	[tilespmem:s14+$0xC80] =	vst v62;
	v0 =	vmax.f32 v61, $0.0e+00;
	v63 =	vmul.f32 $2.000000030e-01, v2  }
0x2f: {  	[tilespmem:s14+$0x0] =	vst v0  }
0x30: {  	[tilespmem:s14+$0x1900] =	vst v63  }
0x31: {  	[hbm4b:s6+s2] =	stream.linear.scatter [tilespmem:s2], [sflag:$0x1], $0xC40, $0x38;
	[tilespmem:$0x2580] =	vst v63  }
0x32: {  	_ =	swait.ge [sflag:s10], $0xC40  }
0x33: {  	[sflag:s10] =	ssyncset.done $0x0  }
0x34: {  	[sflag:s10] =	ssyncadd.s32 $0xFFFFF3C0  }
0x35: {  	[hbm4b:s7+s2] =	stream.linear.scatter [tilespmem:s11], [sflag:$0x1], $0xC40, $0x38;
	[tilespmem:$0x2580] =	vst v63  }
0x36: {  	s13 =	sadd.s32 $0x1, s13;
	_ =	swait.ge [sflag:s10], $0xC40  }
0x37: {  	p0 =	sne.s32 s13, s9;
	[sflag:s10] =	ssyncset.done $0x0  }
.Ltmp1:
0x38: {  	[sflag:s10] =	ssyncadd.s32 $0xFFFFF3C0;
	(pc) =	sbr.rel @p0 .LBB2_1-.Ltmp1, $4  }
0x39: {  	[hbm4b:s8+s2] =	stream.linear.scatter [tilespmem:s12], [sflag:$0x1], $0xC40, $0x38;
	[tilespmem:$0x2580] =	vst v63  }
0x3a: {  	_ =	swait.ge [sflag:s10], $0xC40  }
0x3b: {  	[sflag:s10] =	ssyncset.done $0x0  }
0x3c: {  	[sflag:s10] =	ssyncadd.s32 $0xFFFFF3C0  }
0x3d: {  	_ =	sfence.sel $0x180000  }
0x3e: {  	[bflag:$0x0] =	sbarrier.arrive $0xFFFF  }
0x3f: {  	p0 =	sne.s32 s0, $0x0;
	_ =	strace $0x90000047  }
0x40: {  	s0 =	sadd.s32 @!p0 $0x100000, s1;
	[bflag:$0x2] =	sbarrier.arrive $0xFFFF  }
0x41: {  	[sflag:s0] =	ssyncadd.tile.s32 @!p0 $0x1;
	_ =	shalt  }
.Lfunc_end2:
_tile_overlayer_lowered:
.L_overlay_start_2:
0x42: {  	(tag) =	ssettag $0x2  }
0x43: {  	s0 =	rddreg [dreg:$0x0];
	s2 =	stileid.u32  }
0x44: {  	s1 =	rddreg [dreg:$0x1];
	p0 =	sne.s32 s2, $0x0  }
0x45: {  	s3 =	rddreg [dreg:$0x2];
	[bflag:$0x3] =	sbarrier.arrive $0xFFFF;
	s2 =	simm.s32 @!p0 $0x1C01  }
0x46: {  	[timem:s3], [sflag:s2] =	dma.local @!p0 [hbm:s0], s1  }
0x47: {  	s0 =	simm.s32 @!p0 $0x1  }
0x48: {  	_ =	swait.ge @!p0 [sflag:s0], s1  }
0x49: {  	s1 =	ssub.s32 @!p0 $0x0, s1;
	[sflag:s0] =	ssyncset.done @!p0 $0x0  }
0x4a: {  	[sflag:s0] =	ssyncadd.s32 @!p0 s1  }
0x4b: {  	[bflag:$0x3] =	sbarrier.arrive $0xFFFF  }
0x4c: {  	_ =	shalt  }

// kernel: kernel.7.cloned.1.call-start
scs
__scs_entry_jumppad:
0x0: {  	(pc) =	sbr.rel $0x88, $3  }
0x1: {  	(tag) =	ssettag $0x0;
	lr =	simm.s32 $0x1  }
0x2: {  	[smem:$0x3F9B] =	sst lr;
	_ =	strace $0xD0000000  }
0x3: {  	_ = 	snop  }
0x4: {  	_ = 	snop  }
0x5: {  	_ = 	snop  }
0x6: {  	_ = 	snop  }
0x7: {  	_ = 	snop  }
__scs_overlays_trampoline_lowered:
0x8: {  	[smem:$0x3FAA] =	sst s0  }
0x9: {  	[smem:$0x3FAB] =	sst s1  }
0xa: {  	[smem:$0x3FAC] =	sst s2  }
0xb: {  	[smem:$0x3FAD] =	sst s3  }
0xc: {  	[smem:$0x3FAE] =	sst s4  }
0xd: {  	[smem:$0x3FAF] =	sst s5  }
0xe: {  	[smem:$0x3FB0] =	sst s6  }
0xf: {  	[smem:$0x3FB1] =	sst s7  }
0x10: {  	[smem:$0x3FB2] =	sst s8  }
0x11: {  	[smem:$0x3FB3] =	sst s9;
	s0 =	simm.s32 @!p0 $0x0  }
0x12: {  	s1 =	sld [smem:$0x3F99];
	s0 =	simm.s32 @p0 $0x1  }
0x13: {  	[smem:$0x3FB4] =	sst s0;
	s0 =	simm.s32 @!p1 $0x0  }
0x14: {  	s2 =	sld [smem:$0x3F98];
	s0 =	simm.s32 @p1 $0x1  }
0x15: {  	[smem:$0x3FB5] =	sst s0;
	s0 =	simm.s32 @!p2 $0x0  }
0x16: {  	s3 =	sld [smem:$0x3FDB];
	s0 =	simm.s32 @p2 $0x1  }
0x17: {  	s4 =	simm.s32 $0x1BF5;
	[smem:$0x3FB7] =	sst s0  }
0x18: {  	s0 =	sld [smem:$0x3F9A];
	_ =	swait.ge [sflag:s4], $0x0  }
0x19: {  	s7 =	sld [smem:$0x3F9B]  }
0x1a: {  	s8 =	sadd.s32 $0xFFFFE003, lr  }
0x1b: {  	s9 =	sadd.s32 $0xFFFFFEF7, lr;
	s5 =	simm.s32 $0xFFFFFFFF;
	p2 =	slt.u32 s8, $0xFFFFF086  }
0x1c: {  	p1 =	slt.u32 s9, $0xF7A;
	s5 =	simm.s32 @!p2 $0x0  }
0x1d: {  	s5 =	simm.s32 @p1 $0x1;
	p0 =	seq.s32 s7, s2  }
0x1e: {  	s7 =	smul.u32 @!p0 $0xF7A, s2;
	p2 =	seq.s32 @!p0 s5, $0x0  }
0x1f: {  	s9 =	smul.u32 $0xF7A, s1;
	s8 =	simm.s32 @!p0 $0x1BF5;
	p2 =	por !p2, p0  }
0x20: {  	[sflag:s8] =	ssyncset.s32 @!p0 $0xFFFFF086;
	s6 =	sadd.s32 @!p0 s3, s7;
	s7 =	simm.s32 @!p0 $0x108  }
0x21: {  	s3 =	sadd.s32 s3, s9;
	s6 =	sadd.s32 @!p0 $0x88, s6;
	s7 =	simm.s32 @p2 $0x1082  }
0x22: {  	[simem:s7], [sflag:s8] =	dma.local @!p0 [hbm:s6], $0xF7A  }
0x23: {  	s9 =	sor.u32 $0xD0000000, s2;
	s6 =	simm.s32 $0x108;
	_ =	swait.ge @!p0 [sflag:s8], $0x0  }
0x24: {  	s3 =	sadd.s32 $0x88, s3;
	s6 =	simm.s32 @!p1 $0x1082;
	[sflag:s4] =	ssyncset.s32 $0xFFFFF086  }
0x25: {  	[simem:s6], [sflag:s4] =	dma.local [hbm:s3], $0xF7A  }
0x26: {  	[smem:$0x3F9B] =	sst s1;
	(tag) =	ssettag s2;
	_ =	strace s9  }
0x27: {  	s1 =	sld [smem:$0x3FAB]  }
0x28: {  	s2 =	sld [smem:$0x3FAC]  }
0x29: {  	s4 =	sld [smem:$0x3FAE]  }
0x2a: {  	p0 =	seq.s32 s5, $0x0;
	s5 =	sld [smem:$0x3FAF]  }
0x2b: {  	s6 =	sld [smem:$0x3FB0]  }
0x2c: {  	s7 =	sld [smem:$0x3FB1]  }
0x2d: {  	s3 =	simm.s32 $0x108;
	s8 =	sld [smem:$0x3FB2]  }
0x2e: {  	s3 =	simm.s32 @!p0 $0x1082;
	s9 =	sld [smem:$0x3FB3]  }
0x2f: {  	lr =	sadd.s32 s0, s3;
	s0 =	sld [smem:$0x3FAA]  }
0x30: {  	s3 =	sld [smem:$0x3FAD]  }
0x31: {  	[smem:$0x3FB6] =	sst s10  }
0x32: {  	s10 =	sld [smem:$0x3FB4];
	_ =	sdelay $0x3  }
0x33: {  	p0 =	seq.s32 s10, $0x1;
	s10 =	sld [smem:$0x3FB6];
	_ =	sdelay $0x3  }
0x34: {  	[smem:$0x3FB6] =	sst s10  }
0x35: {  	s10 =	sld [smem:$0x3FB5];
	_ =	sdelay $0x3  }
0x36: {  	p1 =	seq.s32 s10, $0x1;
	s10 =	sld [smem:$0x3FB6];
	_ =	sdelay $0x3  }
0x37: {  	[smem:$0x3FB6] =	sst s10  }
0x38: {  	s10 =	sld [smem:$0x3FB7]  }
0x39: {  	_ = 	snop;
	(pc) =	sbr.ind lr, $3  }
0x3a: {  	_ = 	snop  }
0x3b: {  	_ = 	snop  }
0x3c: {  	p2 =	seq.s32 s10, $0x1;
	s10 =	sld [smem:$0x3FB6]  }
0x3d: {  	_ =	shalt  }
0x3e: {  	_ =	shalt  }
0x3f: {  	_ =	shalt  }
0x40: {  	_ =	shalt  }
0x41: {  	_ =	shalt  }
0x42: {  	_ =	shalt  }
0x43: {  	_ =	shalt  }
0x44: {  	_ =	shalt  }
0x45: {  	_ =	shalt  }
0x46: {  	_ =	shalt  }
0x47: {  	_ =	shalt  }
0x48: {  	_ =	shalt  }
0x49: {  	_ =	shalt  }
0x4a: {  	_ =	shalt  }
0x4b: {  	_ =	shalt  }
0x4c: {  	_ =	shalt  }
0x4d: {  	_ =	shalt  }
0x4e: {  	_ =	shalt  }
0x4f: {  	_ =	shalt  }
0x50: {  	_ =	shalt  }
0x51: {  	_ =	shalt  }
0x52: {  	_ =	shalt  }
0x53: {  	_ =	shalt  }
0x54: {  	_ =	shalt  }
0x55: {  	_ =	shalt  }
0x56: {  	_ =	shalt  }
0x57: {  	_ =	shalt  }
0x58: {  	_ =	shalt  }
0x59: {  	_ =	shalt  }
0x5a: {  	_ =	shalt  }
0x5b: {  	_ =	shalt  }
0x5c: {  	_ =	shalt  }
0x5d: {  	_ =	shalt  }
0x5e: {  	_ =	shalt  }
0x5f: {  	_ =	shalt  }
0x60: {  	_ =	shalt  }
0x61: {  	_ =	shalt  }
0x62: {  	_ =	shalt  }
0x63: {  	_ =	shalt  }
0x64: {  	_ =	shalt  }
0x65: {  	_ =	shalt  }
0x66: {  	_ =	shalt  }
0x67: {  	_ =	shalt  }
0x68: {  	_ =	shalt  }
0x69: {  	_ =	shalt  }
0x6a: {  	_ =	shalt  }
0x6b: {  	_ =	shalt  }
0x6c: {  	_ =	shalt  }
0x6d: {  	_ =	shalt  }
0x6e: {  	_ =	shalt  }
0x6f: {  	_ =	shalt  }
0x70: {  	_ =	shalt  }
0x71: {  	_ =	shalt  }
0x72: {  	_ =	shalt  }
0x73: {  	_ =	shalt  }
0x74: {  	_ =	shalt  }
0x75: {  	_ =	shalt  }
0x76: {  	_ =	shalt  }
0x77: {  	_ =	shalt  }
0x78: {  	_ =	shalt  }
0x79: {  	_ =	shalt  }
0x7a: {  	_ =	shalt  }
0x7b: {  	_ =	shalt  }
0x7c: {  	_ =	shalt  }
0x7d: {  	_ =	shalt  }
0x7e: {  	_ =	shalt  }
0x7f: {  	_ =	shalt  }
0x80: {  	_ =	shalt  }
0x81: {  	_ =	shalt  }
0x82: {  	_ =	shalt  }
0x83: {  	_ =	shalt  }
0x84: {  	_ =	shalt  }
0x85: {  	_ =	shalt  }
0x86: {  	_ =	shalt  }
0x87: {  	_ =	shalt  }
.Lfunc_end0:
.L_simem_size_0:
called_computation.1_lowered:
.L_overlay_start_0:
0x88: {  	s2 =	sld [smem:$0x3FD9]  }
0x89: {  	s3 =	sld [smem:$0x3FFE];
	_ =	sdelay $0x1  }
0x8a: {  	s1 =	srdreg.scid  }
0x8b: {  	s0 =	sand.u32 $0x1, s1  }
0x8c: {  	s17 =	sshll.u32 s0, $0xA;
	s2 =	sadd.s32 s3, s2  }
0x8d: {  	s2 =	sadd.s32 s2, s17  }
0x8e: {  	[smem:$0x3FC2] =	sst s2  }
0x8f: {  	_ = 	snop  }
0x90: {  	s2 =	sld [smem:$0x3FC9]  }
0x91: {  	s18 =	sld [smem:$0x3FC8]  }
0x92: {  	s4 =	sld [smem:$0x3FC7];
	(tm) =	ssettm $0x1  }
0x93: {  	s5 =	sld [smem:$0x3FFB];
	_ =	sdelay $0x3  }
0x94: {  	_ =	strace s5  }
0x95: {  	s5 =	sld [smem:$0x3FFC];
	_ =	sdelay $0x3  }
0x96: {  	_ =	strace s5  }
0x97: {  	s5 =	sld [smem:$0x3FFD];
	_ =	sdelay $0x3  }
0x98: {  	_ =	strace s5  }
0x99: {  	_ =	strace $0x8FFFFFFF  }
0x9a: {  	s19 =	sld [smem:$0x3FDB];
	_ =	sdelay $0x1  }
0x9b: {  	s6 =	simm.s32 $_scs_section_size  }
0x9c: {  	s7 =	simm.s32 $_size__tile_overlayer_lowered;
	s8 =	simm.s32 $_tile_overlayer_lowered  }
0x9d: {  	s22 =	simm.s32 $0x1BFF;
	s21 =	sshll.u32 s8, $0x1;
	s5 =	sadd.s32 s6, s19  }
0x9e: {  	s9 =	simm.s32 $0x0;
	s20 =	sshll.u32 s7, $0x1;
	s7 =	sadd.s32 s21, s5  }
0x9f: {  	[timem:s9], [sflag:s22] =	dma.local [hbm:s7], s20  }
0xa0: {  	_ =	swait.ge [sflag:s22], s20  }
0xa1: {  	s6 =	ssub.s32 $0x0, s20;
	[sflag:s22] =	ssyncset.done $0x0  }
0xa2: {  	[sflag:s22] =	ssyncadd.s32 s6;
	_ =	sdelay $0x1  }
0xa3: {  	s23 =	simm.s32 $0x1B8B  }
0xa4: {  	_ =	swait.ge [sflag:s23], $0x1  }
0xa5: {  	[sflag:s23] =	ssyncset.done $0x0  }
0xa6: {  	s25 =	simm.s32 $0x1B8E;
	s24 =	sld [smem:$0x3FFE];
	[sflag:s23] =	ssyncadd.s32 $0xFFFFFFFF  }
0xa7: {  	s26 =	simm.s32 $execute0_lowered;
	[smem:$0x3FD2] =	sst s25  }
0xa8: {  	s7 =	sshll.u32 s26, $0x1;
	_ =	strace $0x80000049;
	[dreg:$0x1] =	wrdreg $0xFFFFFFFF  }
0xa9: {  	s28 =	simm.s32 $_size_execute0_lowered;
	s5 =	sadd.s32 s5, s7;
	[dreg:$0x0] =	wrdreg $0x0  }
0xaa: {  	s7 =	sshll.u32 s28, $0x1;
	[dreg:$0x2] =	wrdreg s5  }
0xab: {  	[dreg:$0x3] =	wrdreg s7  }
0xac: {  	[dreg:$0x4] =	wrdreg $0xC0  }
0xad: {  	_ =	task [dreg:s9], $0x5FFFF  }
0xae: {  	[dreg:$0x1] =	wrdreg $0xFFFFFFFF  }
0xaf: {  	[dreg:$0x0] =	wrdreg $0x60  }
0xb0: {  	[dreg:$0x2] =	wrdreg s2  }
0xb1: {  	[dreg:$0x3] =	wrdreg s18  }
0xb2: {  	[dreg:$0x4] =	wrdreg s4  }
0xb3: {  	[dreg:$0x5] =	wrdreg s24  }
0xb4: {  	[dreg:$0x6] =	wrdreg $0x9  }
0xb5: {  	_ =	task.clear_ibuf [dreg:s9], $0x7FFFF;
	_ =	strace $0x90000049  }
0xb6: {  	s29 =	simm.s32 $0x9;
	_ =	strace $0x8000004B  }
0xb7: {  	_ =	swait.ge [sflag:s29], $0x1  }
0xb8: {  	[sflag:s29] =	ssyncadd.s32 $0xFFFFFFFF  }
0xb9: {  	_ =	strace $0x9000004B  }
0xba: {  	_ =	sfence  }
0xbb: {  	s30 =	sld [smem:$0x0];
	_ =	sdelay $0x2  }
0xbc: {  	s31 =	sshll.u32 s1, $0xD;
	s1 =	sshrl.u32 s1, $0x2  }
0xbd: {  	s3 =	sand.u32 $0x4000, s31;
	s1 =	sadd.s32 s1, s30  }
0xbe: {  	s0 =	sor.u32 s3, s0;
	s1 =	sshll.u32 s1, $0x11  }
0xbf: {  	s0 =	sor.u32 s1, s0  }
0xc0: {  	s0 =	sadd.s32 $0x8F2B, s0  }
0xc1: {  	[sflag:s0] =	ssyncadd.remote.s32 $0x1  }
0xc2: {  	_ =	sfence.sel $0xFFFF  }
0xc3: {  	[dreg:$0x0] =	wrdreg $0xFFFFFFFF;
	(pc) =	sbr.abs _section_cstart, $3  }
0xc4: {  	[dreg:$0x1] =	wrdreg $0xFFFFFFFF  }
0xc5: {  	_ =	task.clear_ibuf [dreg:s9], $0x2FFFF;
	_ =	strace $0x9FFFFFFF  }
0xc6: {  	(tm) =	ssettm $0x7FFFFFFF  }
0xc7: {  	_ =	shalt  }
tec
execute0_lowered:
.L_overlay_start_1:
0x0: {  	(tag) =	ssettag $0x1  }
0x1: {  	s1 =	rddreg [dreg:$0x0]  }
0x2: {  	s2 =	rddreg [dreg:$0x1]  }
0x3: {  	s4 =	rddreg [dreg:$0x2]  }
0x4: {  	s0 =	srdreg.scid;
	s5 =	stileid.u32  }
0x5: {  	s3 =	rddreg [dreg:$0x3];
	s18 =	simm.s32 $0x2000;
	s19 =	simm.s32 $0x1  }
0x6: {  	s20 =	simm.s32 $0x800;
	s22 =	simm.s32 $0x1800;
	s23 =	simm.s32 $0x2800  }
0x7: {  	s24 =	simm.s32 $0x2;
	s25 =	simm.s32 $0x3800;
	s26 =	simm.s32 $0x3  }
0x8: {  	s28 =	simm.s32 $0x4;
	s30 =	simm.s32 $0x5;
	s31 =	simm.s32 $0x0  }
0x9: {  	s0 =	sand.u32 $0x1, s0;
	s6 =	sshll.u32 s5, $0x1;
	s5 =	simm.s32 $0x0  }
0xa: {  	s7 =	sor.u32 s0, s6;
	[smem:$0x7FF] =	sst s5;
	s6 =	sadd.s32 $0x9E00, s3  }
0xb: {  	s0 =	ssub.s32 $0x2, s0;
	s14 =	smul.u32 $0x19000, s7;
	s7 =	sshll.u32 s7, $0x4  }
0xc: {  	_ =	strace $0x8000004A;
	s8 =	sshrl.u32 s0, $0x1;
	s3 =	sadd.s32 s7, s3  }
.Ltmp0:
0xd: {  	s0 =	ssub.s32 s0, s8;
	s10 =	sshrl.u32 s14, $0x3;
	(pc) =	sbr.rel .LBB2_1-.Ltmp0, $4  }
0xe: {  	s13 =	sadd.s32 $0x1000, s14;
	s14 =	sadd.s32 $0x1800, s14;
	s15 =	sadd.s32 $0x800, s3  }
0xf: {  	s16 =	smax.u32 s0, $0x1;
	s29 =	sadd.s32 s1, s10;
	s8 =	sadd.s32 s2, s10  }
0x10: {  	s9 =	sadd.s32 s4, s10;
	s12 =	sor.u32 $0x100, s10;
	[dreg:$0x5] =	wrdreg s29  }
0x11: {  	s10 =	sadd.s32 s1, s12;
	s11 =	sadd.s32 s2, s12;
	s12 =	sadd.s32 s4, s12  }
.LBB2_8:
0x12: {  	s31 =	sadd.s32 $0x1, s31  }
0x13: {  	p0 =	sne.s32 s31, s16  }
.Ltmp1:
0x14: {  	[tilespmem:$0x6000] =	vst v0;
	s0 =	simm.s32 $0x6000;
	(pc) =	sbr.rel @!p0 .LBB2_9-.Ltmp1, $4  }
0x15: {  	[hbm4b:s15+s5] =	stream.linear.scatter [tilespmem:s0], [sflag:$0x5], $0x80, $0x38;
	[tilespmem:$0x6080] =	vst v63  }
0x16: {  	_ =	swait.ge [sflag:s30], $0x80  }
0x17: {  	[sflag:s30] =	ssyncset.done $0x0  }
0x18: {  	[sflag:s30] =	ssyncadd.s32 $0xFFFFFF80  }
.LBB2_1:
0x19: {  	s0 =	rddreg [dreg:$0x5]  }
0x1a: {  	[tilespmem:s5], [sflag:$0x1] =	stream.linear.gather [hbm4b:s0+s5], $0x800, $0x38;
	[tilespmem:$0x6080] =	vst v63  }
0x1b: {  	s21 =	simm.s32 $0x1000  }
0x1c: {  	[tilespmem:s21], [sflag:$0x1] =	stream.linear.gather [hbm4b:s8+s5], $0x800, $0x38;
	[tilespmem:$0x6080] =	vst v63  }
0x1d: {  	_ = 	snop  }
0x1e: {  	[tilespmem:s18], [sflag:$0x1] =	stream.linear.gather [hbm4b:s9+s5], $0x800, $0x38;
	[tilespmem:$0x6080] =	vst v63  }
0x1f: {  	_ =	swait.ge [sflag:s19], $0x800  }
0x20: {  	[sflag:s19] =	ssyncset.done $0x0  }
0x21: {  	[sflag:s19] =	ssyncadd.s32 $0xFFFFF800  }
0x22: {  	_ =	swait.ge [sflag:s19], $0x800  }
0x23: {  	[sflag:s19] =	ssyncset.done $0x0  }
0x24: {  	[sflag:s19] =	ssyncadd.s32 $0xFFFFF800  }
0x25: {  	_ =	swait.ge [sflag:s19], $0x800  }
0x26: {  	[sflag:s19] =	ssyncset.done $0x0  }
0x27: {  	s29 =	simm.s32 $0x3000;
	[sflag:s19] =	ssyncadd.s32 $0xFFFFF800  }
0x28: {  	[tilespmem:s29], [sflag:$0x3] =	stream.indirect.gather [hbm4b:s6+s20], $0x1, s18, s20, $0xb8;
	[tilespmem:$0x6080] =	vst v63  }
0x29: {  	_ = 	snop  }
0x2a: {  	[tilespmem:s20], [sflag:$0x2] =	stream.linear.gather [hbm4b:s10+s5], $0x800, $0x38;
	[tilespmem:$0x6080] =	vst v63  }
0x2b: {  	_ = 	snop  }
0x2c: {  	[tilespmem:s22], [sflag:$0x2] =	stream.linear.gather [hbm4b:s11+s5], $0x800, $0x38;
	[tilespmem:$0x6080] =	vst v63  }
0x2d: {  	s3 =	simm.s32 $0x0  }
0x2e: {  	v0 =	vimm.f32 $0.0e+00;
	[tilespmem:s23], [sflag:$0x2] =	stream.linear.gather [hbm4b:s12+s5], $0x800, $0x38;
	[tilespmem:$0x6080] =	vst v63  }
.LBB2_2:
0x2f: {  	_ =	swait.ge [sflag:s24], $0x800  }
0x30: {  	[sflag:s24] =	ssyncset.done $0x0  }
0x31: {  	[sflag:s24] =	ssyncadd.s32 $0xFFFFF800  }
0x32: {  	_ =	swait.ge [sflag:s24], $0x800  }
0x33: {  	[sflag:s24] =	ssyncset.done $0x0  }
0x34: {  	[sflag:s24] =	ssyncadd.s32 $0xFFFFF800  }
0x35: {  	_ =	swait.ge [sflag:s24], $0x800  }
0x36: {  	[sflag:s24] =	ssyncset.done $0x0  }
0x37: {  	[sflag:s24] =	ssyncadd.s32 $0xFFFFF800  }
0x38: {  	[tilespmem:s25], [sflag:$0x4] =	stream.indirect.gather [hbm4b:s6+s20], $0x1, s23, s20, $0xb8;
	[tilespmem:$0x6080] =	vst v63  }
0x39: {  	_ =	swait.ge [sflag:s26], $0x800  }
0x3a: {  	[sflag:s26] =	ssyncset.done $0x0  }
0x3b: {  	s0 =	simm.s32 $0x0;
	[sflag:s26] =	ssyncadd.s32 $0xFFFFF800  }
0x3c: {  	v1 =	vld [tilespmem:s0+$0x0]  }
0x3d: {  	v3 =	vld [tilespmem:s0+$0x3000];
	_ =	sdelay $0x1  }
0x3e: {  	v4 =	vld [tilespmem:s0+$0x4000]  }
0x3f: {  	v6 =	vld [tilespmem:s0+$0x5000]  }
0x40: {  	s17 =	simm.s32 $0x10;
	v2 =	vld [tilespmem:s0+$0x1000]  }
0x41: {  	v5 =	vld [tilespmem:s17+$0x3000];
	v1 =	vsub.f32 v1, v3  }
0x42: {  	v3 =	vld [tilespmem:s17+$0x0]  }
0x43: {  	v7 =	vadd.f32 v4, v1  }
0x44: {  	v4 =	vld [tilespmem:s17+$0x4000]  }
0x45: {  	s0 =	simm.s32 $0x80;
	v1 =	vld [tilespmem:s17+$0x1000];
	v6 =	vadd.f32 v6, v7  }
.LBB2_3:
0x46: {  	v7 =	vld [tilespmem:s17+$0x5000];
	s17 =	sshra.s32 s0, $0x2;
	p0 =	sne.s32 s0, $0x1FC0  }
.Ltmp2:
0x47: {  	s0 =	sadd.s32 $0x40, s0;
	v8 =	vsub.f32 v3, v5;
	v3 =	vld [tilespmem:s17+$0x0];
	v9 =	vadd.f32 v2, v6;
	(pc) =	sbr.rel @p0 .LBB2_3-.Ltmp2, $4  }
0x48: {  	v5 =	vld [tilespmem:s17+$0x3000]  }
0x49: {  	v6 =	vadd.f32 v4, v8;
	v8 =	vmul.f32 v9, v9  }
0x4a: {  	v4 =	vld [tilespmem:s17+$0x4000];
	v2 =	vmov v1  }
0x4b: {  	v1 =	vld [tilespmem:s17+$0x1000];
	v6 =	vadd.f32 v7, v6;
	v0 =	vadd.f32 v8, v0  }
0x4c: {  	s0 =	sshll.u32 s3, $0xC;
	p0 =	seq.s32 s3, $0x18  }
0x4d: {  	s21 =	sadd.s32 @!p0 s0, s13  }
0x4e: {  	s21 =	sshrl.u32 @!p0 s21, $0x3  }
0x4f: {  	v7 =	vld [tilespmem:s17+$0x5000];
	s29 =	simm.s32 @!p0 $0x0;
	s17 =	sadd.s32 @!p0 s1, s21  }
0x50: {  	[tilespmem:s29], [sflag:$0x1] =	stream.linear.gather @!p0 [hbm4b:s17+s29], $0x800, $0x38;
	[tilespmem:$0x6080] =	vst v63  }
0x51: {  	s7 =	simm.s32 @!p0 $0x1000;
	s17 =	sadd.s32 @!p0 s2, s21  }
0x52: {  	[tilespmem:s7], [sflag:$0x1] =	stream.linear.gather @!p0 [hbm4b:s17+s29], $0x800, $0x38;
	[tilespmem:$0x6080] =	vst v63  }
0x53: {  	s7 =	sadd.s32 @!p0 s4, s21;
	s17 =	simm.s32 @!p0 $0x2000  }
0x54: {  	[tilespmem:s17], [sflag:$0x1] =	stream.linear.gather @!p0 [hbm4b:s7+s29], $0x800, $0x38;
	[tilespmem:$0x6080] =	vst v63  }
0x55: {  	s7 =	simm.s32 @!p0 $0x1  }
0x56: {  	_ =	swait.ge @!p0 [sflag:s7], $0x800  }
0x57: {  	[sflag:s7] =	ssyncset.done @!p0 $0x0  }
0x58: {  	[sflag:s7] =	ssyncadd.s32 @!p0 $0xFFFFF800  }
0x59: {  	_ =	swait.ge @!p0 [sflag:s7], $0x800  }
0x5a: {  	[sflag:s7] =	ssyncset.done @!p0 $0x0  }
0x5b: {  	[sflag:s7] =	ssyncadd.s32 @!p0 $0xFFFFF800  }
0x5c: {  	_ =	swait.ge @!p0 [sflag:s7], $0x800  }
0x5d: {  	[sflag:s7] =	ssyncset.done @!p0 $0x0  }
0x5e: {  	s21 =	simm.s32 @!p0 $0x3000;
	[sflag:s7] =	ssyncadd.s32 @!p0 $0xFFFFF800;
	s7 =	simm.s32 @!p0 $0x800  }
0x5f: {  	[tilespmem:s21], [sflag:$0x3] =	stream.indirect.gather @!p0 [hbm4b:s6+s7], $0x1, s17, s7, $0xb8;
	[tilespmem:$0x6080] =	vst v63  }
0x60: {  	_ =	swait.ge [sflag:s28], $0x800  }
0x61: {  	[sflag:s28] =	ssyncset.done $0x0  }
0x62: {  	s29 =	simm.s32 $0x0;
	[sflag:s28] =	ssyncadd.s32 $0xFFFFF800  }
0x63: {  	v3 =	vsub.f32 v3, v5;
	v5 =	vld [tilespmem:s29+$0x800]  }
0x64: {  	v8 =	vld [tilespmem:s29+$0x3800]  }
0x65: {  	v3 =	vadd.f32 v4, v3  }
0x66: {  	v2 =	vadd.f32 v2, v6;
	v9 =	vld [tilespmem:s29+$0x4800]  }
0x67: {  	v3 =	vadd.f32 v7, v3;
	v6 =	vld [tilespmem:s29+$0x5800]  }
0x68: {  	v4 =	vmul.f32 v2, v2;
	s17 =	simm.s32 $0x10;
	v2 =	vld [tilespmem:s29+$0x1800]  }
0x69: {  	v3 =	vadd.f32 v1, v3;
	v1 =	vld [tilespmem:s17+$0x800];
	v5 =	vsub.f32 v5, v8  }
0x6a: {  	v0 =	vadd.f32 v4, v0;
	v4 =	vld [tilespmem:s17+$0x3800]  }
0x6b: {  	v3 =	vmul.f32 v3, v3;
	v7 =	vadd.f32 v9, v5  }
0x6c: {  	v5 =	vld [tilespmem:s17+$0x4800]  }
0x6d: {  	v0 =	vadd.f32 v3, v0;
	s21 =	simm.s32 $0x80;
	v3 =	vld [tilespmem:s17+$0x1800];
	v6 =	vadd.f32 v6, v7  }
.LBB2_5:
0x6e: {  	v7 =	vld [tilespmem:s17+$0x5800];
	s17 =	sshra.s32 s21, $0x2;
	p1 =	sne.s32 s21, $0x1FC0  }
.Ltmp3:
0x6f: {  	s21 =	sadd.s32 $0x40, s21;
	v8 =	vsub.f32 v1, v4;
	v1 =	vld [tilespmem:s17+$0x800];
	v9 =	vadd.f32 v2, v6;
	(pc) =	sbr.rel @p1 .LBB2_5-.Ltmp3, $4  }
0x70: {  	v4 =	vld [tilespmem:s17+$0x3800]  }
0x71: {  	v6 =	vadd.f32 v5, v8;
	v8 =	vmul.f32 v9, v9  }
0x72: {  	v5 =	vld [tilespmem:s17+$0x4800];
	v2 =	vmov v3  }
0x73: {  	v3 =	vld [tilespmem:s17+$0x1800];
	v6 =	vadd.f32 v7, v6;
	v0 =	vadd.f32 v8, v0  }
0x74: {  	v7 =	vld [tilespmem:s17+$0x5800]  }
0x75: {  	v1 =	vsub.f32 v1, v4;
	_ =	sdelay $0x1  }
0x76: {  	v1 =	vadd.f32 v5, v1;
	_ =	sdelay $0x1  }
0x77: {  	v2 =	vadd.f32 v2, v6;
	v1 =	vadd.f32 v7, v1;
	_ =	sdelay $0x1  }
.Ltmp4:
0x78: {  	v2 =	vmul.f32 v2, v2;
	v1 =	vadd.f32 v3, v1;
	(pc) =	sbr.rel @p0 .LBB2_8-.Ltmp4, $3  }
0x79: {  	_ = 	snop  }
0x7a: {  	v0 =	vadd.f32 v2, v0;
	v1 =	vmul.f32 v1, v1;
	_ =	sdelay $0x1  }
0x7b: {  	v0 =	vadd.f32 v1, v0  }
0x7c: {  	s0 =	sadd.s32 s0, s14  }
0x7d: {  	s0 =	sshrl.u32 s0, $0x3  }
0x7e: {  	s7 =	sadd.s32 s1, s0  }
0x7f: {  	[tilespmem:s20], [sflag:$0x2] =	stream.linear.gather [hbm4b:s7+s5], $0x800, $0x38;
	[tilespmem:$0x6080] =	vst v63  }
.Ltmp5:
0x80: {  	_ = 	snop;
	(pc) =	sbr.rel .LBB2_2-.Ltmp5, $4  }
0x81: {  	s29 =	sadd.s32 s2, s0  }
0x82: {  	[tilespmem:s22], [sflag:$0x2] =	stream.linear.gather [hbm4b:s29+s5], $0x800, $0x38;
	[tilespmem:$0x6080] =	vst v63  }
0x83: {  	s3 =	sadd.s32 $0x1, s3;
	s0 =	sadd.s32 s4, s0  }
0x84: {  	[tilespmem:s23], [sflag:$0x2] =	stream.linear.gather [hbm4b:s0+s5], $0x800, $0x38;
	[tilespmem:$0x6080] =	vst v63  }
.LBB2_9:
0x85: {  	_ =	sfence.sel $0x180000  }
0x86: {  	[bflag:$0x0] =	sbarrier.arrive $0xFFFF  }
0x87: {  	_ =	strace $0x9000004A  }
0x88: {  	s0 =	stileid.u32;
	[bflag:$0x2] =	sbarrier.arrive $0xFFFF  }
0x89: {  	p0 =	sne.s32 s0, $0x0;
	s0 =	rddreg [dreg:$0x4]  }
0x8a: {  	s0 =	sadd.s32 @!p0 $0x100000, s0  }
0x8b: {  	[sflag:s0] =	ssyncadd.tile.s32 @!p0 $0x1;
	_ =	shalt  }
.Lfunc_end2:
_tile_overlayer_lowered:
.L_overlay_start_2:
0x8c: {  	(tag) =	ssettag $0x2  }
0x8d: {  	s0 =	rddreg [dreg:$0x0];
	s2 =	stileid.u32  }
0x8e: {  	s1 =	rddreg [dreg:$0x1];
	p0 =	sne.s32 s2, $0x0  }
0x8f: {  	s3 =	rddreg [dreg:$0x2];
	[bflag:$0x3] =	sbarrier.arrive $0xFFFF;
	s2 =	simm.s32 @!p0 $0x1C05  }
0x90: {  	[timem:s3], [sflag:s2] =	dma.local @!p0 [hbm:s0], s1  }
0x91: {  	s0 =	simm.s32 @!p0 $0x5  }
0x92: {  	_ =	swait.ge @!p0 [sflag:s0], s1  }
0x93: {  	s1 =	ssub.s32 @!p0 $0x0, s1;
	[sflag:s0] =	ssyncset.done @!p0 $0x0  }
0x94: {  	[sflag:s0] =	ssyncadd.s32 @!p0 s1  }
0x95: {  	[bflag:$0x3] =	sbarrier.arrive $0xFFFF  }
0x96: {  	_ =	shalt  }

</sc_bundles>
